<compile_context>
chip_gen: v7x
topology: tpu7x:2x2x1
jax: 0.10.2.dev20260603
libtpu: 0.0.44.dev20260713+nightly
codegen_flags: <defaults>
</compile_context>

<pallas_src>
import functools

import jax
import jax.numpy as jnp
from jax import lax
from jax.experimental import pallas as pl
from jax.experimental.pallas import tpu as pltpu
from jax.experimental.pallas import tpu_sc as plsc

_N = 10000
_NP = 10240
_E = 320000
_D = 128
_NW = 32
_PER_W = _E // _NW
_CHUNK = 128
_NCHUNK = _PER_W // _CHUNK
_TAIL = _PER_W - _NCHUNK * _CHUNK
_STRIPE = _NP // 16

_sc_mesh = plsc.VectorSubcoreMesh(core_axis_name="c", subcore_axis_name="s")


@functools.partial(
    pl.kernel,
    mesh=_sc_mesh,
    out_type=(
        jax.ShapeDtypeStruct((_NP,), jnp.float32),
        jax.ShapeDtypeStruct((_NP,), jnp.float32),
    ),
    scratch_types=[
        pltpu.VMEM((_NCHUNK, _CHUNK), jnp.int32),
        pltpu.VMEM((1, _TAIL), jnp.int32),
        pltpu.VMEM((_PER_W,), jnp.float32),
        pltpu.VMEM((_STRIPE,), jnp.float32),
        pltpu.VMEM_SHARED((_NP,), jnp.float32),
        pltpu.SemaphoreType.DMA,
        pltpu.SemaphoreType.DMA,
    ],
)
def _segment_sum_sc(col_hbm, ew_hbm, out0, out1, idx_v, idx_t, val_v, zbuf,
                    acc, ld_sem, st_sem):
    c = lax.axis_index("c")
    s = lax.axis_index("s")
    wid = c * 16 + s
    base = wid * _PER_W

    pltpu.async_copy(ew_hbm.at[pl.ds(base, _PER_W)], val_v, ld_sem)
    pltpu.async_copy(col_hbm.at[pl.ds(base + _NCHUNK * _CHUNK, _TAIL)],
                     idx_t.at[0], ld_sem)

    def ld(j, carry):
        pltpu.async_copy(col_hbm.at[pl.ds(base + j * _CHUNK, _CHUNK)],
                         idx_v.at[j], ld_sem)
        return carry

    lax.fori_loop(0, _NCHUNK, ld, 0)

    for j in range(_STRIPE // 16):
        zbuf[pl.ds(j * 16, 16)] = jnp.zeros((16,), jnp.float32)
    pltpu.sync_copy(zbuf, acc.at[pl.ds(s * _STRIPE, _STRIPE)])

    pltpu.make_async_copy(ew_hbm.at[pl.ds(base, _PER_W)], val_v, ld_sem).wait()
    pltpu.make_async_copy(ew_hbm.at[pl.ds(base, _PER_W)], val_v, ld_sem).wait()
    plsc.subcore_barrier()

    def fire(j, carry):
        pltpu.async_copy(val_v.at[pl.ds(j * _CHUNK, _CHUNK)],
                         acc.at[idx_v.at[j]], st_sem, add=True)
        return carry

    lax.fori_loop(0, _NCHUNK, fire, 0)
    pltpu.async_copy(val_v.at[pl.ds(_NCHUNK * _CHUNK, _TAIL)],
                     acc.at[idx_t.at[0]], st_sem, add=True)
    pltpu.make_async_copy(ew_hbm.at[pl.ds(base, _PER_W)], val_v, st_sem).wait()
    plsc.subcore_barrier()

    @pl.when(jnp.logical_and(s == 0, c == 0))
    def _():
        pltpu.sync_copy(acc, out0)

    @pl.when(jnp.logical_and(s == 0, c == 1))
    def _():
        pltpu.sync_copy(acc, out1)


_R = 2048


def _mxu_t(a, n):
    eye = jnp.float32(1.0) * (
        jax.lax.broadcasted_iota(jnp.int32, (n, n), 0)
        == jax.lax.broadcasted_iota(jnp.int32, (n, n), 1))
    return jax.lax.dot_general(a, eye, (((0,), (0,)), ((), ())),
                               precision=jax.lax.Precision.HIGHEST)


def _pan_tc_body(x_ref, p_ref, p0_ref, p1_ref, beta_ref, out_ref, score_ref):
    nblk = _R // 128
    xb = x_ref[...]
    s1t = jnp.concatenate(
        [jnp.sum(xb[128 * r:128 * (r + 1), :] * p_ref[...], axis=1,
                 keepdims=True) for r in range(nblk)], axis=1)
    ppt = _mxu_t(p0_ref[...] + p1_ref[...], nblk)
    z = beta_ref[0] * s1t + beta_ref[1] * ppt
    sct = 1.0 / (1.0 + jnp.exp(-z))
    for r in range(nblk):
        out_ref[pl.ds(128 * r, 128), :] = (
            xb[128 * r:128 * (r + 1), :] * sct[:, r:r + 1])
    sc_lane = _mxu_t(sct, 128)
    score_ref[...] = jnp.squeeze(
        jnp.concatenate([sc_lane[r:r + 1, :] for r in range(nblk)], axis=1),
        axis=0)


def kernel(x, row, col, edge_weight, p, beta):
    del row
    part0, part1 = _segment_sum_sc(col, edge_weight)

    out, score = pl.pallas_call(
        _pan_tc_body,
        grid=(pl.cdiv(_N, _R),),
        in_specs=[
            pl.BlockSpec((_R, _D), lambda i: (i, 0)),
            pl.BlockSpec((1, _D), lambda i: (0, 0)),
            pl.BlockSpec((_R // 128, 128), lambda i: (i, 0)),
            pl.BlockSpec((_R // 128, 128), lambda i: (i, 0)),
            pl.BlockSpec(memory_space=pltpu.SMEM),
        ],
        out_specs=[
            pl.BlockSpec((_R, _D), lambda i: (i, 0)),
            pl.BlockSpec((_R,), lambda i: (i,)),
        ],
        out_shape=[
            jax.ShapeDtypeStruct((_N, _D), jnp.float32),
            jax.ShapeDtypeStruct((_N,), jnp.float32),
        ],
    )(x, p.reshape(1, _D), part0.reshape(_NP // 128, 128),
      part1.reshape(_NP // 128, 128), beta)

    return (out, score)

# --- scband reference (transcript-rebuilt; emitter-appended) ---
"""Pipeline reference for scband-panscorer-14044543057998 (READ-ONLY COPY).

The authoritative reference and input builder live on the scoring server;
editing this copy changes nothing except your own understanding.
"""

import jax, jax.numpy as jnp
import numpy as np

N_NODES = 10000
N_EDGES = 320000
D_FEAT = 128


def setup_inputs(seed: int = 0) -> dict:
    key = jax.random.key(seed)
    k1, k2, k3, k4 = jax.random.split(key, 4)
    x = jax.random.normal(k1, (N_NODES, D_FEAT), dtype=jnp.float32)
    row = jax.random.randint(k2, (N_EDGES,), 0, N_NODES, dtype=jnp.int32)
    col = jax.random.randint(k3, (N_EDGES,), 0, N_NODES, dtype=jnp.int32)
    edge_weight = jax.random.uniform(k4, (N_EDGES,), dtype=jnp.float32)
    # learned parameters per PANScorer.reset_parameters():
    #   p = ones(in_channels), beta = [0.5, 0.5]
    p = jnp.ones((D_FEAT,), dtype=jnp.float32)
    beta = jnp.full((2,), 0.5, dtype=jnp.float32)
    return {"x": x, "row": row, "col": col, "edge_weight": edge_weight, "p": p, "beta": beta}


def reference(x, row, col, edge_weight, p, beta):
    # PANScorer.forward(x, M) where M.coo() -> (row, col, edge_weight)
    # score1 = (x * p).sum(dim=-1)
    score1 = (x * p).sum(axis=-1)
    # score2 = scatter_add(edge_weight, col, dim=0, dim_size=x.size(0))
    score2 = jax.ops.segment_sum(edge_weight, col, num_segments=x.shape[0])
    score = beta[0] * score1 + beta[1] * score2
    score = jax.nn.sigmoid(score)
    return (x * score[:, None], score)

if __name__ == "__main__":
    import jax
    _d = setup_inputs()
    print(jax.jit(kernel)(*tuple(_d.values())))

</pallas_src>

<mosaic_0001>
#map = affine_map<(d0, d1) -> (0)>
module attributes {stable_mosaic.version = 14 : i64} {
  func.func @_segment_sum_sc(%arg0: i32, %arg1: i32, %arg2: memref<320000xi32, #tpu.memory_space<hbm>>, %arg3: memref<320000xf32, #tpu.memory_space<hbm>>, %arg4: memref<10240xf32, #tpu.memory_space<hbm>>, %arg5: memref<10240xf32, #tpu.memory_space<hbm>>, %arg6: memref<78x128xi32, #tpu.memory_space<vmem>>, %arg7: memref<1x16xi32, #tpu.memory_space<vmem>>, %arg8: memref<10000xf32, #tpu.memory_space<vmem>>, %arg9: memref<640xf32, #tpu.memory_space<vmem>>, %arg10: memref<10240xf32, #tpu.memory_space<vmem_shared>>, %arg11: memref<!tpu.dma_semaphore, #tpu.memory_space<semaphore_mem>>, %arg12: memref<!tpu.dma_semaphore, #tpu.memory_space<semaphore_mem>>) attributes {dimension_semantics = [#tpu.dimension_semantics<core_parallel>, #tpu.dimension_semantics<subcore_parallel>], iteration_bounds = array<i64: 2, 16>, scalar_prefetch = 0 : i64, scratch_operands = 7 : i64, tpu.core_type = #tpu.core_type<sc_vector_subcore>, window_params = [{transform_indices = #map}, {transform_indices = #map}, {transform_indices = #map}, {transform_indices = #map}]} {
    %mul3A = arith.constant 16 : i32
    %mul3A_0 = arith.muli %arg0, %mul3A : i32
    %add3A = arith.addi %mul3A_0, %arg1 : i32
    %mul3A_1 = arith.constant 10000 : i32
    %mul3A_2 = arith.muli %add3A, %mul3A_1 : i32
    %dma_start3A = tpu.memref_slice %arg3[%mul3A_2] : memref<320000xf32, #tpu.memory_space<hbm>> -> memref<10000xf32, #tpu.memory_space<hbm>>
    %dma_start3A_3 = tpu.memref_slice %arg3[%mul3A_2] : memref<320000xf32, #tpu.memory_space<hbm>> -> memref<10000xf32, #tpu.memory_space<hbm>>
    tpu.enqueue_dma source(%dma_start3A_3 : memref<10000xf32, #tpu.memory_space<hbm>>) target(%arg8 : memref<10000xf32, #tpu.memory_space<vmem>>) target_semaphore(%arg11 : memref<!tpu.dma_semaphore, #tpu.memory_space<semaphore_mem>>)
    %add3A_4 = arith.constant 9984 : i32
    %add3A_5 = arith.addi %mul3A_2, %add3A_4 : i32
    %dma_start3A_6 = arith.constant 0 : i32
    %dma_start3A_7 = arith.constant 0 : i32
    %dma_start3A_8 = tpu.memref_slice %arg7[%dma_start3A_6, %dma_start3A_7] : memref<1x16xi32, #tpu.memory_space<vmem>> -> memref<1x16xi32, #tpu.memory_space<vmem>>
    %dma_start3A_9 = tpu.memref_squeeze %dma_start3A_8 : memref<1x16xi32, #tpu.memory_space<vmem>> -> memref<16xi32, #tpu.memory_space<vmem>>
    %dma_start3A_10 = tpu.memref_slice %arg2[%add3A_5] : memref<320000xi32, #tpu.memory_space<hbm>> -> memref<16xi32, #tpu.memory_space<hbm>>
    %dma_start3A_11 = arith.constant 0 : i32
    %dma_start3A_12 = tpu.memref_slice %arg7[%dma_start3A_6, %dma_start3A_11] : memref<1x16xi32, #tpu.memory_space<vmem>> -> memref<1x16xi32, #tpu.memory_space<vmem>>
    %dma_start3A_13 = tpu.memref_squeeze %dma_start3A_12 : memref<1x16xi32, #tpu.memory_space<vmem>> -> memref<16xi32, #tpu.memory_space<vmem>>
    %dma_start3A_14 = tpu.memref_slice %arg2[%add3A_5] : memref<320000xi32, #tpu.memory_space<hbm>> -> memref<16xi32, #tpu.memory_space<hbm>>
    tpu.enqueue_dma source(%dma_start3A_14 : memref<16xi32, #tpu.memory_space<hbm>>) target(%dma_start3A_13 : memref<16xi32, #tpu.memory_space<vmem>>) target_semaphore(%arg11 : memref<!tpu.dma_semaphore, #tpu.memory_space<semaphore_mem>>)
    %scan3A = arith.constant 0 : i32
    %scan3A_15 = arith.constant 0 : i32
    %scan3A_16 = arith.constant 78 : i32
    %scan3A_17 = arith.addi %scan3A_15, %scan3A_16 : i32
    %scan3A_18 = arith.constant 1 : i32
    scf.for %scan3A_292 = %scan3A_15 to %scan3A_17 step %scan3A_18  : i32 {
      %mul3A_293 = arith.constant 128 : i32
      %mul3A_294 = arith.muli %scan3A_292, %mul3A_293 : i32
      %add3A_295 = arith.addi %mul3A_2, %mul3A_294 : i32
      %dma_start3A_296 = arith.constant 0 : i32
      %dma_start3A_297 = tpu.memref_slice %arg6[%scan3A_292, %dma_start3A_296] : memref<78x128xi32, #tpu.memory_space<vmem>> -> memref<1x128xi32, #tpu.memory_space<vmem>>
      %dma_start3A_298 = tpu.memref_squeeze %dma_start3A_297 : memref<1x128xi32, #tpu.memory_space<vmem>> -> memref<128xi32, #tpu.memory_space<vmem>>
      %dma_start3A_299 = tpu.memref_slice %arg2[%add3A_295] : memref<320000xi32, #tpu.memory_space<hbm>> -> memref<128xi32, #tpu.memory_space<hbm>>
      %dma_start3A_300 = arith.constant 0 : i32
      %dma_start3A_301 = tpu.memref_slice %arg6[%scan3A_292, %dma_start3A_300] : memref<78x128xi32, #tpu.memory_space<vmem>> -> memref<1x128xi32, #tpu.memory_space<vmem>>
      %dma_start3A_302 = tpu.memref_squeeze %dma_start3A_301 : memref<1x128xi32, #tpu.memory_space<vmem>> -> memref<128xi32, #tpu.memory_space<vmem>>
      %dma_start3A_303 = tpu.memref_slice %arg2[%add3A_295] : memref<320000xi32, #tpu.memory_space<hbm>> -> memref<128xi32, #tpu.memory_space<hbm>>
      tpu.enqueue_dma source(%dma_start3A_303 : memref<128xi32, #tpu.memory_space<hbm>>) target(%dma_start3A_302 : memref<128xi32, #tpu.memory_space<vmem>>) target_semaphore(%arg11 : memref<!tpu.dma_semaphore, #tpu.memory_space<semaphore_mem>>)
    }
    %scan3A_19 = arith.constant 78 : i32
    %broadcast_in_dim3A = arith.constant 0.000000e+00 : f32
    %broadcast_in_dim3A_20 = vector.broadcast %broadcast_in_dim3A : f32 to vector<16xf32>
    %swap3A = arith.constant 0 : index
    %swap3A_21 = tpu.vector_load %arg9[%swap3A] {strides = array<i32>} : memref<640xf32, #tpu.memory_space<vmem>>, vector<16xf32>,
    %swap3A_22 = vector.shape_cast %swap3A_21 : vector<16xf32> to vector<16xf32>
    %swap3A_23 = vector.shape_cast %broadcast_in_dim3A_20 : vector<16xf32> to vector<16xf32>
    tpu.vector_store %arg9[%swap3A], %swap3A_23 {strides = array<i32>} : memref<640xf32, #tpu.memory_space<vmem>>, vector<16xf32>,
    %broadcast_in_dim3A_24 = arith.constant 0.000000e+00 : f32
    %broadcast_in_dim3A_25 = vector.broadcast %broadcast_in_dim3A_24 : f32 to vector<16xf32>
    %swap3A_26 = arith.constant 16 : index
    %swap3A_27 = tpu.vector_load %arg9[%swap3A_26] {strides = array<i32>} : memref<640xf32, #tpu.memory_space<vmem>>, vector<16xf32>,
    %swap3A_28 = vector.shape_cast %swap3A_27 : vector<16xf32> to vector<16xf32>
    %swap3A_29 = vector.shape_cast %broadcast_in_dim3A_25 : vector<16xf32> to vector<16xf32>
    tpu.vector_store %arg9[%swap3A_26], %swap3A_29 {strides = array<i32>} : memref<640xf32, #tpu.memory_space<vmem>>, vector<16xf32>,
    %broadcast_in_dim3A_30 = arith.constant 0.000000e+00 : f32
    %broadcast_in_dim3A_31 = vector.broadcast %broadcast_in_dim3A_30 : f32 to vector<16xf32>
    %swap3A_32 = arith.constant 32 : index
    %swap3A_33 = tpu.vector_load %arg9[%swap3A_32] {strides = array<i32>} : memref<640xf32, #tpu.memory_space<vmem>>, vector<16xf32>,
    %swap3A_34 = vector.shape_cast %swap3A_33 : vector<16xf32> to vector<16xf32>
    %swap3A_35 = vector.shape_cast %broadcast_in_dim3A_31 : vector<16xf32> to vector<16xf32>
    tpu.vector_store %arg9[%swap3A_32], %swap3A_35 {strides = array<i32>} : memref<640xf32, #tpu.memory_space<vmem>>, vector<16xf32>,
    %broadcast_in_dim3A_36 = arith.constant 0.000000e+00 : f32
    %broadcast_in_dim3A_37 = vector.broadcast %broadcast_in_dim3A_36 : f32 to vector<16xf32>
    %swap3A_38 = arith.constant 48 : index
    %swap3A_39 = tpu.vector_load %arg9[%swap3A_38] {strides = array<i32>} : memref<640xf32, #tpu.memory_space<vmem>>, vector<16xf32>,
    %swap3A_40 = vector.shape_cast %swap3A_39 : vector<16xf32> to vector<16xf32>
    %swap3A_41 = vector.shape_cast %broadcast_in_dim3A_37 : vector<16xf32> to vector<16xf32>
    tpu.vector_store %arg9[%swap3A_38], %swap3A_41 {strides = array<i32>} : memref<640xf32, #tpu.memory_space<vmem>>, vector<16xf32>,
    %broadcast_in_dim3A_42 = arith.constant 0.000000e+00 : f32
    %broadcast_in_dim3A_43 = vector.broadcast %broadcast_in_dim3A_42 : f32 to vector<16xf32>
    %swap3A_44 = arith.constant 64 : index
    %swap3A_45 = tpu.vector_load %arg9[%swap3A_44] {strides = array<i32>} : memref<640xf32, #tpu.memory_space<vmem>>, vector<16xf32>,
    %swap3A_46 = vector.shape_cast %swap3A_45 : vector<16xf32> to vector<16xf32>
    %swap3A_47 = vector.shape_cast %broadcast_in_dim3A_43 : vector<16xf32> to vector<16xf32>
    tpu.vector_store %arg9[%swap3A_44], %swap3A_47 {strides = array<i32>} : memref<640xf32, #tpu.memory_space<vmem>>, vector<16xf32>,
    %broadcast_in_dim3A_48 = arith.constant 0.000000e+00 : f32
    %broadcast_in_dim3A_49 = vector.broadcast %broadcast_in_dim3A_48 : f32 to vector<16xf32>
    %swap3A_50 = arith.constant 80 : index
    %swap3A_51 = tpu.vector_load %arg9[%swap3A_50] {strides = array<i32>} : memref<640xf32, #tpu.memory_space<vmem>>, vector<16xf32>,
    %swap3A_52 = vector.shape_cast %swap3A_51 : vector<16xf32> to vector<16xf32>
    %swap3A_53 = vector.shape_cast %broadcast_in_dim3A_49 : vector<16xf32> to vector<16xf32>
    tpu.vector_store %arg9[%swap3A_50], %swap3A_53 {strides = array<i32>} : memref<640xf32, #tpu.memory_space<vmem>>, vector<16xf32>,
    %broadcast_in_dim3A_54 = arith.constant 0.000000e+00 : f32
    %broadcast_in_dim3A_55 = vector.broadcast %broadcast_in_dim3A_54 : f32 to vector<16xf32>
    %swap3A_56 = arith.constant 96 : index
    %swap3A_57 = tpu.vector_load %arg9[%swap3A_56] {strides = array<i32>} : memref<640xf32, #tpu.memory_space<vmem>>, vector<16xf32>,
    %swap3A_58 = vector.shape_cast %swap3A_57 : vector<16xf32> to vector<16xf32>
    %swap3A_59 = vector.shape_cast %broadcast_in_dim3A_55 : vector<16xf32> to vector<16xf32>
    tpu.vector_store %arg9[%swap3A_56], %swap3A_59 {strides = array<i32>} : memref<640xf32, #tpu.memory_space<vmem>>, vector<16xf32>,
    %broadcast_in_dim3A_60 = arith.constant 0.000000e+00 : f32
    %broadcast_in_dim3A_61 = vector.broadcast %broadcast_in_dim3A_60 : f32 to vector<16xf32>
    %swap3A_62 = arith.constant 112 : index
    %swap3A_63 = tpu.vector_load %arg9[%swap3A_62] {strides = array<i32>} : memref<640xf32, #tpu.memory_space<vmem>>, vector<16xf32>,
    %swap3A_64 = vector.shape_cast %swap3A_63 : vector<16xf32> to vector<16xf32>
    %swap3A_65 = vector.shape_cast %broadcast_in_dim3A_61 : vector<16xf32> to vector<16xf32>
    tpu.vector_store %arg9[%swap3A_62], %swap3A_65 {strides = array<i32>} : memref<640xf32, #tpu.memory_space<vmem>>, vector<16xf32>,
    %broadcast_in_dim3A_66 = arith.constant 0.000000e+00 : f32
    %broadcast_in_dim3A_67 = vector.broadcast %broadcast_in_dim3A_66 : f32 to vector<16xf32>
    %swap3A_68 = arith.constant 128 : index
    %swap3A_69 = tpu.vector_load %arg9[%swap3A_68] {strides = array<i32>} : memref<640xf32, #tpu.memory_space<vmem>>, vector<16xf32>,
    %swap3A_70 = vector.shape_cast %swap3A_69 : vector<16xf32> to vector<16xf32>
    %swap3A_71 = vector.shape_cast %broadcast_in_dim3A_67 : vector<16xf32> to vector<16xf32>
    tpu.vector_store %arg9[%swap3A_68], %swap3A_71 {strides = array<i32>} : memref<640xf32, #tpu.memory_space<vmem>>, vector<16xf32>,
    %broadcast_in_dim3A_72 = arith.constant 0.000000e+00 : f32
    %broadcast_in_dim3A_73 = vector.broadcast %broadcast_in_dim3A_72 : f32 to vector<16xf32>
    %swap3A_74 = arith.constant 144 : index
    %swap3A_75 = tpu.vector_load %arg9[%swap3A_74] {strides = array<i32>} : memref<640xf32, #tpu.memory_space<vmem>>, vector<16xf32>,
    %swap3A_76 = vector.shape_cast %swap3A_75 : vector<16xf32> to vector<16xf32>
    %swap3A_77 = vector.shape_cast %broadcast_in_dim3A_73 : vector<16xf32> to vector<16xf32>
    tpu.vector_store %arg9[%swap3A_74], %swap3A_77 {strides = array<i32>} : memref<640xf32, #tpu.memory_space<vmem>>, vector<16xf32>,
    %broadcast_in_dim3A_78 = arith.constant 0.000000e+00 : f32
    %broadcast_in_dim3A_79 = vector.broadcast %broadcast_in_dim3A_78 : f32 to vector<16xf32>
    %swap3A_80 = arith.constant 160 : index
    %swap3A_81 = tpu.vector_load %arg9[%swap3A_80] {strides = array<i32>} : memref<640xf32, #tpu.memory_space<vmem>>, vector<16xf32>,
    %swap3A_82 = vector.shape_cast %swap3A_81 : vector<16xf32> to vector<16xf32>
    %swap3A_83 = vector.shape_cast %broadcast_in_dim3A_79 : vector<16xf32> to vector<16xf32>
    tpu.vector_store %arg9[%swap3A_80], %swap3A_83 {strides = array<i32>} : memref<640xf32, #tpu.memory_space<vmem>>, vector<16xf32>,
    %broadcast_in_dim3A_84 = arith.constant 0.000000e+00 : f32
    %broadcast_in_dim3A_85 = vector.broadcast %broadcast_in_dim3A_84 : f32 to vector<16xf32>
    %swap3A_86 = arith.constant 176 : index
    %swap3A_87 = tpu.vector_load %arg9[%swap3A_86] {strides = array<i32>} : memref<640xf32, #tpu.memory_space<vmem>>, vector<16xf32>,
    %swap3A_88 = vector.shape_cast %swap3A_87 : vector<16xf32> to vector<16xf32>
    %swap3A_89 = vector.shape_cast %broadcast_in_dim3A_85 : vector<16xf32> to vector<16xf32>
    tpu.vector_store %arg9[%swap3A_86], %swap3A_89 {strides = array<i32>} : memref<640xf32, #tpu.memory_space<vmem>>, vector<16xf32>,
    %broadcast_in_dim3A_90 = arith.constant 0.000000e+00 : f32
    %broadcast_in_dim3A_91 = vector.broadcast %broadcast_in_dim3A_90 : f32 to vector<16xf32>
    %swap3A_92 = arith.constant 192 : index
    %swap3A_93 = tpu.vector_load %arg9[%swap3A_92] {strides = array<i32>} : memref<640xf32, #tpu.memory_space<vmem>>, vector<16xf32>,
    %swap3A_94 = vector.shape_cast %swap3A_93 : vector<16xf32> to vector<16xf32>
    %swap3A_95 = vector.shape_cast %broadcast_in_dim3A_91 : vector<16xf32> to vector<16xf32>
    tpu.vector_store %arg9[%swap3A_92], %swap3A_95 {strides = array<i32>} : memref<640xf32, #tpu.memory_space<vmem>>, vector<16xf32>,
    %broadcast_in_dim3A_96 = arith.constant 0.000000e+00 : f32
    %broadcast_in_dim3A_97 = vector.broadcast %broadcast_in_dim3A_96 : f32 to vector<16xf32>
    %swap3A_98 = arith.constant 208 : index
    %swap3A_99 = tpu.vector_load %arg9[%swap3A_98] {strides = array<i32>} : memref<640xf32, #tpu.memory_space<vmem>>, vector<16xf32>,
    %swap3A_100 = vector.shape_cast %swap3A_99 : vector<16xf32> to vector<16xf32>
    %swap3A_101 = vector.shape_cast %broadcast_in_dim3A_97 : vector<16xf32> to vector<16xf32>
    tpu.vector_store %arg9[%swap3A_98], %swap3A_101 {strides = array<i32>} : memref<640xf32, #tpu.memory_space<vmem>>, vector<16xf32>,
    %broadcast_in_dim3A_102 = arith.constant 0.000000e+00 : f32
    %broadcast_in_dim3A_103 = vector.broadcast %broadcast_in_dim3A_102 : f32 to vector<16xf32>
    %swap3A_104 = arith.constant 224 : index
    %swap3A_105 = tpu.vector_load %arg9[%swap3A_104] {strides = array<i32>} : memref<640xf32, #tpu.memory_space<vmem>>, vector<16xf32>,
    %swap3A_106 = vector.shape_cast %swap3A_105 : vector<16xf32> to vector<16xf32>
    %swap3A_107 = vector.shape_cast %broadcast_in_dim3A_103 : vector<16xf32> to vector<16xf32>
    tpu.vector_store %arg9[%swap3A_104], %swap3A_107 {strides = array<i32>} : memref<640xf32, #tpu.memory_space<vmem>>, vector<16xf32>,
    %broadcast_in_dim3A_108 = arith.constant 0.000000e+00 : f32
    %broadcast_in_dim3A_109 = vector.broadcast %broadcast_in_dim3A_108 : f32 to vector<16xf32>
    %swap3A_110 = arith.constant 240 : index
    %swap3A_111 = tpu.vector_load %arg9[%swap3A_110] {strides = array<i32>} : memref<640xf32, #tpu.memory_space<vmem>>, vector<16xf32>,
    %swap3A_112 = vector.shape_cast %swap3A_111 : vector<16xf32> to vector<16xf32>
    %swap3A_113 = vector.shape_cast %broadcast_in_dim3A_109 : vector<16xf32> to vector<16xf32>
    tpu.vector_store %arg9[%swap3A_110], %swap3A_113 {strides = array<i32>} : memref<640xf32, #tpu.memory_space<vmem>>, vector<16xf32>,
    %broadcast_in_dim3A_114 = arith.constant 0.000000e+00 : f32
    %broadcast_in_dim3A_115 = vector.broadcast %broadcast_in_dim3A_114 : f32 to vector<16xf32>
    %swap3A_116 = arith.constant 256 : index
    %swap3A_117 = tpu.vector_load %arg9[%swap3A_116] {strides = array<i32>} : memref<640xf32, #tpu.memory_space<vmem>>, vector<16xf32>,
    %swap3A_118 = vector.shape_cast %swap3A_117 : vector<16xf32> to vector<16xf32>
    %swap3A_119 = vector.shape_cast %broadcast_in_dim3A_115 : vector<16xf32> to vector<16xf32>
    tpu.vector_store %arg9[%swap3A_116], %swap3A_119 {strides = array<i32>} : memref<640xf32, #tpu.memory_space<vmem>>, vector<16xf32>,
    %broadcast_in_dim3A_120 = arith.constant 0.000000e+00 : f32
    %broadcast_in_dim3A_121 = vector.broadcast %broadcast_in_dim3A_120 : f32 to vector<16xf32>
    %swap3A_122 = arith.constant 272 : index
    %swap3A_123 = tpu.vector_load %arg9[%swap3A_122] {strides = array<i32>} : memref<640xf32, #tpu.memory_space<vmem>>, vector<16xf32>,
    %swap3A_124 = vector.shape_cast %swap3A_123 : vector<16xf32> to vector<16xf32>
    %swap3A_125 = vector.shape_cast %broadcast_in_dim3A_121 : vector<16xf32> to vector<16xf32>
    tpu.vector_store %arg9[%swap3A_122], %swap3A_125 {strides = array<i32>} : memref<640xf32, #tpu.memory_space<vmem>>, vector<16xf32>,
    %broadcast_in_dim3A_126 = arith.constant 0.000000e+00 : f32
    %broadcast_in_dim3A_127 = vector.broadcast %broadcast_in_dim3A_126 : f32 to vector<16xf32>
    %swap3A_128 = arith.constant 288 : index
    %swap3A_129 = tpu.vector_load %arg9[%swap3A_128] {strides = array<i32>} : memref<640xf32, #tpu.memory_space<vmem>>, vector<16xf32>,
    %swap3A_130 = vector.shape_cast %swap3A_129 : vector<16xf32> to vector<16xf32>
    %swap3A_131 = vector.shape_cast %broadcast_in_dim3A_127 : vector<16xf32> to vector<16xf32>
    tpu.vector_store %arg9[%swap3A_128], %swap3A_131 {strides = array<i32>} : memref<640xf32, #tpu.memory_space<vmem>>, vector<16xf32>,
    %broadcast_in_dim3A_132 = arith.constant 0.000000e+00 : f32
    %broadcast_in_dim3A_133 = vector.broadcast %broadcast_in_dim3A_132 : f32 to vector<16xf32>
    %swap3A_134 = arith.constant 304 : index
    %swap3A_135 = tpu.vector_load %arg9[%swap3A_134] {strides = array<i32>} : memref<640xf32, #tpu.memory_space<vmem>>, vector<16xf32>,
    %swap3A_136 = vector.shape_cast %swap3A_135 : vector<16xf32> to vector<16xf32>
    %swap3A_137 = vector.shape_cast %broadcast_in_dim3A_133 : vector<16xf32> to vector<16xf32>
    tpu.vector_store %arg9[%swap3A_134], %swap3A_137 {strides = array<i32>} : memref<640xf32, #tpu.memory_space<vmem>>, vector<16xf32>,
    %broadcast_in_dim3A_138 = arith.constant 0.000000e+00 : f32
    %broadcast_in_dim3A_139 = vector.broadcast %broadcast_in_dim3A_138 : f32 to vector<16xf32>
    %swap3A_140 = arith.constant 320 : index
    %swap3A_141 = tpu.vector_load %arg9[%swap3A_140] {strides = array<i32>} : memref<640xf32, #tpu.memory_space<vmem>>, vector<16xf32>,
    %swap3A_142 = vector.shape_cast %swap3A_141 : vector<16xf32> to vector<16xf32>
    %swap3A_143 = vector.shape_cast %broadcast_in_dim3A_139 : vector<16xf32> to vector<16xf32>
    tpu.vector_store %arg9[%swap3A_140], %swap3A_143 {strides = array<i32>} : memref<640xf32, #tpu.memory_space<vmem>>, vector<16xf32>,
    %broadcast_in_dim3A_144 = arith.constant 0.000000e+00 : f32
    %broadcast_in_dim3A_145 = vector.broadcast %broadcast_in_dim3A_144 : f32 to vector<16xf32>
    %swap3A_146 = arith.constant 336 : index
    %swap3A_147 = tpu.vector_load %arg9[%swap3A_146] {strides = array<i32>} : memref<640xf32, #tpu.memory_space<vmem>>, vector<16xf32>,
    %swap3A_148 = vector.shape_cast %swap3A_147 : vector<16xf32> to vector<16xf32>
    %swap3A_149 = vector.shape_cast %broadcast_in_dim3A_145 : vector<16xf32> to vector<16xf32>
    tpu.vector_store %arg9[%swap3A_146], %swap3A_149 {strides = array<i32>} : memref<640xf32, #tpu.memory_space<vmem>>, vector<16xf32>,
    %broadcast_in_dim3A_150 = arith.constant 0.000000e+00 : f32
    %broadcast_in_dim3A_151 = vector.broadcast %broadcast_in_dim3A_150 : f32 to vector<16xf32>
    %swap3A_152 = arith.constant 352 : index
    %swap3A_153 = tpu.vector_load %arg9[%swap3A_152] {strides = array<i32>} : memref<640xf32, #tpu.memory_space<vmem>>, vector<16xf32>,
    %swap3A_154 = vector.shape_cast %swap3A_153 : vector<16xf32> to vector<16xf32>
    %swap3A_155 = vector.shape_cast %broadcast_in_dim3A_151 : vector<16xf32> to vector<16xf32>
    tpu.vector_store %arg9[%swap3A_152], %swap3A_155 {strides = array<i32>} : memref<640xf32, #tpu.memory_space<vmem>>, vector<16xf32>,
    %broadcast_in_dim3A_156 = arith.constant 0.000000e+00 : f32
    %broadcast_in_dim3A_157 = vector.broadcast %broadcast_in_dim3A_156 : f32 to vector<16xf32>
    %swap3A_158 = arith.constant 368 : index
    %swap3A_159 = tpu.vector_load %arg9[%swap3A_158] {strides = array<i32>} : memref<640xf32, #tpu.memory_space<vmem>>, vector<16xf32>,
    %swap3A_160 = vector.shape_cast %swap3A_159 : vector<16xf32> to vector<16xf32>
    %swap3A_161 = vector.shape_cast %broadcast_in_dim3A_157 : vector<16xf32> to vector<16xf32>
    tpu.vector_store %arg9[%swap3A_158], %swap3A_161 {strides = array<i32>} : memref<640xf32, #tpu.memory_space<vmem>>, vector<16xf32>,
    %broadcast_in_dim3A_162 = arith.constant 0.000000e+00 : f32
    %broadcast_in_dim3A_163 = vector.broadcast %broadcast_in_dim3A_162 : f32 to vector<16xf32>
    %swap3A_164 = arith.constant 384 : index
    %swap3A_165 = tpu.vector_load %arg9[%swap3A_164] {strides = array<i32>} : memref<640xf32, #tpu.memory_space<vmem>>, vector<16xf32>,
    %swap3A_166 = vector.shape_cast %swap3A_165 : vector<16xf32> to vector<16xf32>
    %swap3A_167 = vector.shape_cast %broadcast_in_dim3A_163 : vector<16xf32> to vector<16xf32>
    tpu.vector_store %arg9[%swap3A_164], %swap3A_167 {strides = array<i32>} : memref<640xf32, #tpu.memory_space<vmem>>, vector<16xf32>,
    %broadcast_in_dim3A_168 = arith.constant 0.000000e+00 : f32
    %broadcast_in_dim3A_169 = vector.broadcast %broadcast_in_dim3A_168 : f32 to vector<16xf32>
    %swap3A_170 = arith.constant 400 : index
    %swap3A_171 = tpu.vector_load %arg9[%swap3A_170] {strides = array<i32>} : memref<640xf32, #tpu.memory_space<vmem>>, vector<16xf32>,
    %swap3A_172 = vector.shape_cast %swap3A_171 : vector<16xf32> to vector<16xf32>
    %swap3A_173 = vector.shape_cast %broadcast_in_dim3A_169 : vector<16xf32> to vector<16xf32>
    tpu.vector_store %arg9[%swap3A_170], %swap3A_173 {strides = array<i32>} : memref<640xf32, #tpu.memory_space<vmem>>, vector<16xf32>,
    %broadcast_in_dim3A_174 = arith.constant 0.000000e+00 : f32
    %broadcast_in_dim3A_175 = vector.broadcast %broadcast_in_dim3A_174 : f32 to vector<16xf32>
    %swap3A_176 = arith.constant 416 : index
    %swap3A_177 = tpu.vector_load %arg9[%swap3A_176] {strides = array<i32>} : memref<640xf32, #tpu.memory_space<vmem>>, vector<16xf32>,
    %swap3A_178 = vector.shape_cast %swap3A_177 : vector<16xf32> to vector<16xf32>
    %swap3A_179 = vector.shape_cast %broadcast_in_dim3A_175 : vector<16xf32> to vector<16xf32>
    tpu.vector_store %arg9[%swap3A_176], %swap3A_179 {strides = array<i32>} : memref<640xf32, #tpu.memory_space<vmem>>, vector<16xf32>,
    %broadcast_in_dim3A_180 = arith.constant 0.000000e+00 : f32
    %broadcast_in_dim3A_181 = vector.broadcast %broadcast_in_dim3A_180 : f32 to vector<16xf32>
    %swap3A_182 = arith.constant 432 : index
    %swap3A_183 = tpu.vector_load %arg9[%swap3A_182] {strides = array<i32>} : memref<640xf32, #tpu.memory_space<vmem>>, vector<16xf32>,
    %swap3A_184 = vector.shape_cast %swap3A_183 : vector<16xf32> to vector<16xf32>
    %swap3A_185 = vector.shape_cast %broadcast_in_dim3A_181 : vector<16xf32> to vector<16xf32>
    tpu.vector_store %arg9[%swap3A_182], %swap3A_185 {strides = array<i32>} : memref<640xf32, #tpu.memory_space<vmem>>, vector<16xf32>,
    %broadcast_in_dim3A_186 = arith.constant 0.000000e+00 : f32
    %broadcast_in_dim3A_187 = vector.broadcast %broadcast_in_dim3A_186 : f32 to vector<16xf32>
    %swap3A_188 = arith.constant 448 : index
    %swap3A_189 = tpu.vector_load %arg9[%swap3A_188] {strides = array<i32>} : memref<640xf32, #tpu.memory_space<vmem>>, vector<16xf32>,
    %swap3A_190 = vector.shape_cast %swap3A_189 : vector<16xf32> to vector<16xf32>
    %swap3A_191 = vector.shape_cast %broadcast_in_dim3A_187 : vector<16xf32> to vector<16xf32>
    tpu.vector_store %arg9[%swap3A_188], %swap3A_191 {strides = array<i32>} : memref<640xf32, #tpu.memory_space<vmem>>, vector<16xf32>,
    %broadcast_in_dim3A_192 = arith.constant 0.000000e+00 : f32
    %broadcast_in_dim3A_193 = vector.broadcast %broadcast_in_dim3A_192 : f32 to vector<16xf32>
    %swap3A_194 = arith.constant 464 : index
    %swap3A_195 = tpu.vector_load %arg9[%swap3A_194] {strides = array<i32>} : memref<640xf32, #tpu.memory_space<vmem>>, vector<16xf32>,
    %swap3A_196 = vector.shape_cast %swap3A_195 : vector<16xf32> to vector<16xf32>
    %swap3A_197 = vector.shape_cast %broadcast_in_dim3A_193 : vector<16xf32> to vector<16xf32>
    tpu.vector_store %arg9[%swap3A_194], %swap3A_197 {strides = array<i32>} : memref<640xf32, #tpu.memory_space<vmem>>, vector<16xf32>,
    %broadcast_in_dim3A_198 = arith.constant 0.000000e+00 : f32
    %broadcast_in_dim3A_199 = vector.broadcast %broadcast_in_dim3A_198 : f32 to vector<16xf32>
    %swap3A_200 = arith.constant 480 : index
    %swap3A_201 = tpu.vector_load %arg9[%swap3A_200] {strides = array<i32>} : memref<640xf32, #tpu.memory_space<vmem>>, vector<16xf32>,
    %swap3A_202 = vector.shape_cast %swap3A_201 : vector<16xf32> to vector<16xf32>
    %swap3A_203 = vector.shape_cast %broadcast_in_dim3A_199 : vector<16xf32> to vector<16xf32>
    tpu.vector_store %arg9[%swap3A_200], %swap3A_203 {strides = array<i32>} : memref<640xf32, #tpu.memory_space<vmem>>, vector<16xf32>,
    %broadcast_in_dim3A_204 = arith.constant 0.000000e+00 : f32
    %broadcast_in_dim3A_205 = vector.broadcast %broadcast_in_dim3A_204 : f32 to vector<16xf32>
    %swap3A_206 = arith.constant 496 : index
    %swap3A_207 = tpu.vector_load %arg9[%swap3A_206] {strides = array<i32>} : memref<640xf32, #tpu.memory_space<vmem>>, vector<16xf32>,
    %swap3A_208 = vector.shape_cast %swap3A_207 : vector<16xf32> to vector<16xf32>
    %swap3A_209 = vector.shape_cast %broadcast_in_dim3A_205 : vector<16xf32> to vector<16xf32>
    tpu.vector_store %arg9[%swap3A_206], %swap3A_209 {strides = array<i32>} : memref<640xf32, #tpu.memory_space<vmem>>, vector<16xf32>,
    %broadcast_in_dim3A_210 = arith.constant 0.000000e+00 : f32
    %broadcast_in_dim3A_211 = vector.broadcast %broadcast_in_dim3A_210 : f32 to vector<16xf32>
    %swap3A_212 = arith.constant 512 : index
    %swap3A_213 = tpu.vector_load %arg9[%swap3A_212] {strides = array<i32>} : memref<640xf32, #tpu.memory_space<vmem>>, vector<16xf32>,
    %swap3A_214 = vector.shape_cast %swap3A_213 : vector<16xf32> to vector<16xf32>
    %swap3A_215 = vector.shape_cast %broadcast_in_dim3A_211 : vector<16xf32> to vector<16xf32>
    tpu.vector_store %arg9[%swap3A_212], %swap3A_215 {strides = array<i32>} : memref<640xf32, #tpu.memory_space<vmem>>, vector<16xf32>,
    %broadcast_in_dim3A_216 = arith.constant 0.000000e+00 : f32
    %broadcast_in_dim3A_217 = vector.broadcast %broadcast_in_dim3A_216 : f32 to vector<16xf32>
    %swap3A_218 = arith.constant 528 : index
    %swap3A_219 = tpu.vector_load %arg9[%swap3A_218] {strides = array<i32>} : memref<640xf32, #tpu.memory_space<vmem>>, vector<16xf32>,
    %swap3A_220 = vector.shape_cast %swap3A_219 : vector<16xf32> to vector<16xf32>
    %swap3A_221 = vector.shape_cast %broadcast_in_dim3A_217 : vector<16xf32> to vector<16xf32>
    tpu.vector_store %arg9[%swap3A_218], %swap3A_221 {strides = array<i32>} : memref<640xf32, #tpu.memory_space<vmem>>, vector<16xf32>,
    %broadcast_in_dim3A_222 = arith.constant 0.000000e+00 : f32
    %broadcast_in_dim3A_223 = vector.broadcast %broadcast_in_dim3A_222 : f32 to vector<16xf32>
    %swap3A_224 = arith.constant 544 : index
    %swap3A_225 = tpu.vector_load %arg9[%swap3A_224] {strides = array<i32>} : memref<640xf32, #tpu.memory_space<vmem>>, vector<16xf32>,
    %swap3A_226 = vector.shape_cast %swap3A_225 : vector<16xf32> to vector<16xf32>
    %swap3A_227 = vector.shape_cast %broadcast_in_dim3A_223 : vector<16xf32> to vector<16xf32>
    tpu.vector_store %arg9[%swap3A_224], %swap3A_227 {strides = array<i32>} : memref<640xf32, #tpu.memory_space<vmem>>, vector<16xf32>,
    %broadcast_in_dim3A_228 = arith.constant 0.000000e+00 : f32
    %broadcast_in_dim3A_229 = vector.broadcast %broadcast_in_dim3A_228 : f32 to vector<16xf32>
    %swap3A_230 = arith.constant 560 : index
    %swap3A_231 = tpu.vector_load %arg9[%swap3A_230] {strides = array<i32>} : memref<640xf32, #tpu.memory_space<vmem>>, vector<16xf32>,
    %swap3A_232 = vector.shape_cast %swap3A_231 : vector<16xf32> to vector<16xf32>
    %swap3A_233 = vector.shape_cast %broadcast_in_dim3A_229 : vector<16xf32> to vector<16xf32>
    tpu.vector_store %arg9[%swap3A_230], %swap3A_233 {strides = array<i32>} : memref<640xf32, #tpu.memory_space<vmem>>, vector<16xf32>,
    %broadcast_in_dim3A_234 = arith.constant 0.000000e+00 : f32
    %broadcast_in_dim3A_235 = vector.broadcast %broadcast_in_dim3A_234 : f32 to vector<16xf32>
    %swap3A_236 = arith.constant 576 : index
    %swap3A_237 = tpu.vector_load %arg9[%swap3A_236] {strides = array<i32>} : memref<640xf32, #tpu.memory_space<vmem>>, vector<16xf32>,
    %swap3A_238 = vector.shape_cast %swap3A_237 : vector<16xf32> to vector<16xf32>
    %swap3A_239 = vector.shape_cast %broadcast_in_dim3A_235 : vector<16xf32> to vector<16xf32>
    tpu.vector_store %arg9[%swap3A_236], %swap3A_239 {strides = array<i32>} : memref<640xf32, #tpu.memory_space<vmem>>, vector<16xf32>,
    %broadcast_in_dim3A_240 = arith.constant 0.000000e+00 : f32
    %broadcast_in_dim3A_241 = vector.broadcast %broadcast_in_dim3A_240 : f32 to vector<16xf32>
    %swap3A_242 = arith.constant 592 : index
    %swap3A_243 = tpu.vector_load %arg9[%swap3A_242] {strides = array<i32>} : memref<640xf32, #tpu.memory_space<vmem>>, vector<16xf32>,
    %swap3A_244 = vector.shape_cast %swap3A_243 : vector<16xf32> to vector<16xf32>
    %swap3A_245 = vector.shape_cast %broadcast_in_dim3A_241 : vector<16xf32> to vector<16xf32>
    tpu.vector_store %arg9[%swap3A_242], %swap3A_245 {strides = array<i32>} : memref<640xf32, #tpu.memory_space<vmem>>, vector<16xf32>,
    %broadcast_in_dim3A_246 = arith.constant 0.000000e+00 : f32
    %broadcast_in_dim3A_247 = vector.broadcast %broadcast_in_dim3A_246 : f32 to vector<16xf32>
    %swap3A_248 = arith.constant 608 : index
    %swap3A_249 = tpu.vector_load %arg9[%swap3A_248] {strides = array<i32>} : memref<640xf32, #tpu.memory_space<vmem>>, vector<16xf32>,
    %swap3A_250 = vector.shape_cast %swap3A_249 : vector<16xf32> to vector<16xf32>
    %swap3A_251 = vector.shape_cast %broadcast_in_dim3A_247 : vector<16xf32> to vector<16xf32>
    tpu.vector_store %arg9[%swap3A_248], %swap3A_251 {strides = array<i32>} : memref<640xf32, #tpu.memory_space<vmem>>, vector<16xf32>,
    %broadcast_in_dim3A_252 = arith.constant 0.000000e+00 : f32
    %broadcast_in_dim3A_253 = vector.broadcast %broadcast_in_dim3A_252 : f32 to vector<16xf32>
    %swap3A_254 = arith.constant 624 : index
    %swap3A_255 = tpu.vector_load %arg9[%swap3A_254] {strides = array<i32>} : memref<640xf32, #tpu.memory_space<vmem>>, vector<16xf32>,
    %swap3A_256 = vector.shape_cast %swap3A_255 : vector<16xf32> to vector<16xf32>
    %swap3A_257 = vector.shape_cast %broadcast_in_dim3A_253 : vector<16xf32> to vector<16xf32>
    tpu.vector_store %arg9[%swap3A_254], %swap3A_257 {strides = array<i32>} : memref<640xf32, #tpu.memory_space<vmem>>, vector<16xf32>,
    %mul3A_258 = arith.constant 640 : i32
    %mul3A_259 = arith.muli %arg1, %mul3A_258 : i32
    "tpu.region"() ({
      %run_scoped3A = tpu.sem_alloc : memref<!tpu.dma_semaphore, #tpu.memory_space<semaphore_mem>>
      %dma_start3A_292 = tpu.memref_slice %arg10[%mul3A_259] : memref<10240xf32, #tpu.memory_space<vmem_shared>> -> memref<640xf32, #tpu.memory_space<vmem_shared>>
      %dma_start3A_293 = tpu.memref_slice %arg10[%mul3A_259] : memref<10240xf32, #tpu.memory_space<vmem_shared>> -> memref<640xf32, #tpu.memory_space<vmem_shared>>
      tpu.enqueue_dma source(%arg9 : memref<640xf32, #tpu.memory_space<vmem>>) target(%dma_start3A_293 : memref<640xf32, #tpu.memory_space<vmem_shared>>) target_semaphore(%run_scoped3A : memref<!tpu.dma_semaphore, #tpu.memory_space<semaphore_mem>>)
      %dma_wait3A_294 = tpu.memref_slice %arg10[%mul3A_259] : memref<10240xf32, #tpu.memory_space<vmem_shared>> -> memref<640xf32, #tpu.memory_space<vmem_shared>>
      %dma_wait3A_295 = tpu.memref_slice %arg10[%mul3A_259] : memref<10240xf32, #tpu.memory_space<vmem_shared>> -> memref<640xf32, #tpu.memory_space<vmem_shared>>
      tpu.wait_dma2 semaphore(%run_scoped3A : memref<!tpu.dma_semaphore, #tpu.memory_space<semaphore_mem>>) src(%arg9 : memref<640xf32, #tpu.memory_space<vmem>>) dst(%dma_wait3A_295 : memref<640xf32, #tpu.memory_space<vmem_shared>>)
      tpu.yield
    }) : () -> ()
    %dma_wait3A = tpu.memref_slice %arg3[%mul3A_2] : memref<320000xf32, #tpu.memory_space<hbm>> -> memref<10000xf32, #tpu.memory_space<hbm>>
    %dma_wait3A_260 = tpu.memref_slice %arg3[%mul3A_2] : memref<320000xf32, #tpu.memory_space<hbm>> -> memref<10000xf32, #tpu.memory_space<hbm>>
    tpu.wait_dma2 semaphore(%arg11 : memref<!tpu.dma_semaphore, #tpu.memory_space<semaphore_mem>>) src(%dma_wait3A_260 : memref<10000xf32, #tpu.memory_space<hbm>>) dst(%arg8 : memref<10000xf32, #tpu.memory_space<vmem>>)
    %dma_wait3A_261 = tpu.memref_slice %arg3[%mul3A_2] : memref<320000xf32, #tpu.memory_space<hbm>> -> memref<10000xf32, #tpu.memory_space<hbm>>
    %dma_wait3A_262 = tpu.memref_slice %arg3[%mul3A_2] : memref<320000xf32, #tpu.memory_space<hbm>> -> memref<10000xf32, #tpu.memory_space<hbm>>
    tpu.wait_dma2 semaphore(%arg11 : memref<!tpu.dma_semaphore, #tpu.memory_space<semaphore_mem>>) src(%dma_wait3A_262 : memref<10000xf32, #tpu.memory_space<hbm>>) dst(%arg8 : memref<10000xf32, #tpu.memory_space<vmem>>)
    %barrier3A = arith.constant 0 : index
    tpu.barrier barrier_id(%barrier3A)
    %scan3A_263 = arith.constant 0 : i32
    %scan3A_264 = arith.constant 0 : i32
    %scan3A_265 = arith.constant 78 : i32
    %scan3A_266 = arith.addi %scan3A_264, %scan3A_265 : i32
    %scan3A_267 = arith.constant 1 : i32
    scf.for %scan3A_292 = %scan3A_264 to %scan3A_266 step %scan3A_267  : i32 {
      %mul3A_293 = arith.constant 128 : i32
      %mul3A_294 = arith.muli %scan3A_292, %mul3A_293 : i32
      %dma_start3A_295 = tpu.memref_slice %arg8[%mul3A_294] : memref<10000xf32, #tpu.memory_space<vmem>> -> memref<128xf32, #tpu.memory_space<vmem>>
      %dma_start3A_296 = arith.constant 0 : i32
      %dma_start3A_297 = tpu.memref_slice %arg6[%scan3A_292, %dma_start3A_296] : memref<78x128xi32, #tpu.memory_space<vmem>> -> memref<1x128xi32, #tpu.memory_space<vmem>>
      %dma_start3A_298 = tpu.memref_squeeze %dma_start3A_297 : memref<1x128xi32, #tpu.memory_space<vmem>> -> memref<128xi32, #tpu.memory_space<vmem>>
      %dma_start3A_299 = arith.constant 0 : i32
      %dma_start3A_300 = tpu.memref_slice %arg10[%dma_start3A_299] : memref<10240xf32, #tpu.memory_space<vmem_shared>> -> memref<10240xf32, #tpu.memory_space<vmem_shared>>
      tpu.enqueue_indirect_dma source(%dma_start3A_295 : memref<128xf32, #tpu.memory_space<vmem>>) target(%dma_start3A_300 : memref<10240xf32, #tpu.memory_space<vmem_shared>>) offsets(%dma_start3A_298 : memref<128xi32, #tpu.memory_space<vmem>>) semaphore(%arg12 : memref<!tpu.dma_semaphore, #tpu.memory_space<semaphore_mem>>) {add = true}
    }
    %scan3A_268 = arith.constant 78 : i32
    %dma_start3A_269 = arith.constant 0 : i32
    %dma_start3A_270 = arith.constant 9984 : i32
    %dma_start3A_271 = tpu.memref_slice %arg8[%dma_start3A_270] : memref<10000xf32, #tpu.memory_space<vmem>> -> memref<16xf32, #tpu.memory_space<vmem>>
    %dma_start3A_272 = arith.constant 0 : i32
    %dma_start3A_273 = tpu.memref_slice %arg7[%dma_start3A_269, %dma_start3A_272] : memref<1x16xi32, #tpu.memory_space<vmem>> -> memref<1x16xi32, #tpu.memory_space<vmem>>
    %dma_start3A_274 = tpu.memref_squeeze %dma_start3A_273 : memref<1x16xi32, #tpu.memory_space<vmem>> -> memref<16xi32, #tpu.memory_space<vmem>>
    %dma_start3A_275 = arith.constant 0 : i32
    %dma_start3A_276 = tpu.memref_slice %arg10[%dma_start3A_275] : memref<10240xf32, #tpu.memory_space<vmem_shared>> -> memref<10240xf32, #tpu.memory_space<vmem_shared>>
    tpu.enqueue_indirect_dma source(%dma_start3A_271 : memref<16xf32, #tpu.memory_space<vmem>>) target(%dma_start3A_276 : memref<10240xf32, #tpu.memory_space<vmem_shared>>) offsets(%dma_start3A_274 : memref<16xi32, #tpu.memory_space<vmem>>) semaphore(%arg12 : memref<!tpu.dma_semaphore, #tpu.memory_space<semaphore_mem>>) {add = true}
    %dma_wait3A_277 = tpu.memref_slice %arg3[%mul3A_2] : memref<320000xf32, #tpu.memory_space<hbm>> -> memref<10000xf32, #tpu.memory_space<hbm>>
    %dma_wait3A_278 = tpu.memref_slice %arg3[%mul3A_2] : memref<320000xf32, #tpu.memory_space<hbm>> -> memref<10000xf32, #tpu.memory_space<hbm>>
    tpu.wait_dma2 semaphore(%arg12 : memref<!tpu.dma_semaphore, #tpu.memory_space<semaphore_mem>>) src(%dma_wait3A_278 : memref<10000xf32, #tpu.memory_space<hbm>>) dst(%arg8 : memref<10000xf32, #tpu.memory_space<vmem>>)
    %barrier3A_279 = arith.constant 0 : index
    tpu.barrier barrier_id(%barrier3A_279)
    %eq3A = arith.constant 0 : i32
    %eq3A_280 = arith.cmpi eq, %arg1, %eq3A : i32
    %eq3A_281 = arith.constant 0 : i32
    %eq3A_282 = arith.cmpi eq, %arg0, %eq3A_281 : i32
    %and3A = arith.andi %eq3A_280, %eq3A_282 : i1
    %convert_element_type3A = arith.extui %and3A : i1 to i32
    %cond3A = arith.constant 0 : i32
    %cond3A_283 = arith.cmpi ne, %convert_element_type3A, %cond3A : i32
    scf.if %cond3A_283 {
      "tpu.region"() ({
        %run_scoped3A = tpu.sem_alloc : memref<!tpu.dma_semaphore, #tpu.memory_space<semaphore_mem>>
        tpu.enqueue_dma source(%arg10 : memref<10240xf32, #tpu.memory_space<vmem_shared>>) target(%arg4 : memref<10240xf32, #tpu.memory_space<hbm>>) target_semaphore(%run_scoped3A : memref<!tpu.dma_semaphore, #tpu.memory_space<semaphore_mem>>)
        tpu.wait_dma2 semaphore(%run_scoped3A : memref<!tpu.dma_semaphore, #tpu.memory_space<semaphore_mem>>) src(%arg10 : memref<10240xf32, #tpu.memory_space<vmem_shared>>) dst(%arg4 : memref<10240xf32, #tpu.memory_space<hbm>>)
        tpu.yield
      }) : () -> ()
    } else {
    }
    %eq3A_284 = arith.constant 0 : i32
    %eq3A_285 = arith.cmpi eq, %arg1, %eq3A_284 : i32
    %eq3A_286 = arith.constant 1 : i32
    %eq3A_287 = arith.cmpi eq, %arg0, %eq3A_286 : i32
    %and3A_288 = arith.andi %eq3A_285, %eq3A_287 : i1
    %convert_element_type3A_289 = arith.extui %and3A_288 : i1 to i32
    %cond3A_290 = arith.constant 0 : i32
    %cond3A_291 = arith.cmpi ne, %convert_element_type3A_289, %cond3A_290 : i32
    scf.if %cond3A_291 {
      "tpu.region"() ({
        %run_scoped3A = tpu.sem_alloc : memref<!tpu.dma_semaphore, #tpu.memory_space<semaphore_mem>>
        tpu.enqueue_dma source(%arg10 : memref<10240xf32, #tpu.memory_space<vmem_shared>>) target(%arg5 : memref<10240xf32, #tpu.memory_space<hbm>>) target_semaphore(%run_scoped3A : memref<!tpu.dma_semaphore, #tpu.memory_space<semaphore_mem>>)
        tpu.wait_dma2 semaphore(%run_scoped3A : memref<!tpu.dma_semaphore, #tpu.memory_space<semaphore_mem>>) src(%arg10 : memref<10240xf32, #tpu.memory_space<vmem_shared>>) dst(%arg5 : memref<10240xf32, #tpu.memory_space<hbm>>)
        tpu.yield
      }) : () -> ()
    } else {
    }
    return
  }
}

module attributes {stable_mosaic.version = 14 : i64} {
  func.func @_pan_tc_body(%arg0: i32, %arg1: memref<2048x128xf32, #tpu.memory_space<vmem>>, %arg2: memref<1x128xf32, #tpu.memory_space<vmem>>, %arg3: memref<16x128xf32, #tpu.memory_space<vmem>>, %arg4: memref<16x128xf32, #tpu.memory_space<vmem>>, %arg5: memref<2xf32, #tpu.memory_space<smem>>, %arg6: memref<2048x128xf32, #tpu.memory_space<vmem>>, %arg7: memref<2048xf32, #tpu.memory_space<vmem>>) attributes {dimension_semantics = [#tpu.dimension_semantics<arbitrary>], iteration_bounds = array<i64: 5>, scalar_prefetch = 0 : i64, scratch_operands = 0 : i64, tpu.core_type = #tpu.core_type<tc>, window_params = [{transform_indices = @transform_0, window_bounds = array<i64: 2048, 128>}, {pipeline_mode = #tpu.pipeline_mode<synchronous>, transform_indices = @transform_1, window_bounds = array<i64: 1, 128>}, {transform_indices = @transform_2, window_bounds = array<i64: 16, 128>}, {transform_indices = @transform_3, window_bounds = array<i64: 16, 128>}, {transform_indices = @transform_4, window_bounds = array<i64: 2>}, {transform_indices = @transform_5, window_bounds = array<i64: 2048, 128>}, {transform_indices = @transform_6, window_bounds = array<i64: 2048>}]} {
    %get3A = arith.constant 0 : index
    %get3A_0 = arith.constant 0 : index
    %get3A_1 = vector.load %arg1[%get3A, %get3A_0] : memref<2048x128xf32, #tpu.memory_space<vmem>>, vector<2048x128xf32>
    %slice3A = vector.extract_strided_slice %get3A_1 {offsets = [0, 0], sizes = [128, 128], strides = [1, 1]} : vector<2048x128xf32> to vector<128x128xf32>
    %get3A_2 = arith.constant 0 : index
    %get3A_3 = arith.constant 0 : index
    %get3A_4 = vector.load %arg2[%get3A_2, %get3A_3] : memref<1x128xf32, #tpu.memory_space<vmem>>, vector<1x128xf32>
    %mul3A = vector.broadcast %get3A_4 : vector<1x128xf32> to vector<128x128xf32>
    %mul3A_5 = arith.mulf %slice3A, %mul3A : vector<128x128xf32>
    %reduce_sum3A = arith.constant dense<0.000000e+00> : vector<128xf32>
    %reduce_sum3A_6 = vector.multi_reduction <add>, %mul3A_5, %reduce_sum3A [1] : vector<128x128xf32> to vector<128xf32>
    %broadcast_in_dim3A = vector.shape_cast %reduce_sum3A_6 : vector<128xf32> to vector<128x1xf32>
    %slice3A_7 = vector.extract_strided_slice %get3A_1 {offsets = [128, 0], sizes = [128, 128], strides = [1, 1]} : vector<2048x128xf32> to vector<128x128xf32>
    %get3A_8 = arith.constant 0 : index
    %get3A_9 = arith.constant 0 : index
    %get3A_10 = vector.load %arg2[%get3A_8, %get3A_9] : memref<1x128xf32, #tpu.memory_space<vmem>>, vector<1x128xf32>
    %mul3A_11 = vector.broadcast %get3A_10 : vector<1x128xf32> to vector<128x128xf32>
    %mul3A_12 = arith.mulf %slice3A_7, %mul3A_11 : vector<128x128xf32>
    %reduce_sum3A_13 = arith.constant dense<0.000000e+00> : vector<128xf32>
    %reduce_sum3A_14 = vector.multi_reduction <add>, %mul3A_12, %reduce_sum3A_13 [1] : vector<128x128xf32> to vector<128xf32>
    %broadcast_in_dim3A_15 = vector.shape_cast %reduce_sum3A_14 : vector<128xf32> to vector<128x1xf32>
    %slice3A_16 = vector.extract_strided_slice %get3A_1 {offsets = [256, 0], sizes = [128, 128], strides = [1, 1]} : vector<2048x128xf32> to vector<128x128xf32>
    %get3A_17 = arith.constant 0 : index
    %get3A_18 = arith.constant 0 : index
    %get3A_19 = vector.load %arg2[%get3A_17, %get3A_18] : memref<1x128xf32, #tpu.memory_space<vmem>>, vector<1x128xf32>
    %mul3A_20 = vector.broadcast %get3A_19 : vector<1x128xf32> to vector<128x128xf32>
    %mul3A_21 = arith.mulf %slice3A_16, %mul3A_20 : vector<128x128xf32>
    %reduce_sum3A_22 = arith.constant dense<0.000000e+00> : vector<128xf32>
    %reduce_sum3A_23 = vector.multi_reduction <add>, %mul3A_21, %reduce_sum3A_22 [1] : vector<128x128xf32> to vector<128xf32>
    %broadcast_in_dim3A_24 = vector.shape_cast %reduce_sum3A_23 : vector<128xf32> to vector<128x1xf32>
    %slice3A_25 = vector.extract_strided_slice %get3A_1 {offsets = [384, 0], sizes = [128, 128], strides = [1, 1]} : vector<2048x128xf32> to vector<128x128xf32>
    %get3A_26 = arith.constant 0 : index
    %get3A_27 = arith.constant 0 : index
    %get3A_28 = vector.load %arg2[%get3A_26, %get3A_27] : memref<1x128xf32, #tpu.memory_space<vmem>>, vector<1x128xf32>
    %mul3A_29 = vector.broadcast %get3A_28 : vector<1x128xf32> to vector<128x128xf32>
    %mul3A_30 = arith.mulf %slice3A_25, %mul3A_29 : vector<128x128xf32>
    %reduce_sum3A_31 = arith.constant dense<0.000000e+00> : vector<128xf32>
    %reduce_sum3A_32 = vector.multi_reduction <add>, %mul3A_30, %reduce_sum3A_31 [1] : vector<128x128xf32> to vector<128xf32>
    %broadcast_in_dim3A_33 = vector.shape_cast %reduce_sum3A_32 : vector<128xf32> to vector<128x1xf32>
    %slice3A_34 = vector.extract_strided_slice %get3A_1 {offsets = [512, 0], sizes = [128, 128], strides = [1, 1]} : vector<2048x128xf32> to vector<128x128xf32>
    %get3A_35 = arith.constant 0 : index
    %get3A_36 = arith.constant 0 : index
    %get3A_37 = vector.load %arg2[%get3A_35, %get3A_36] : memref<1x128xf32, #tpu.memory_space<vmem>>, vector<1x128xf32>
    %mul3A_38 = vector.broadcast %get3A_37 : vector<1x128xf32> to vector<128x128xf32>
    %mul3A_39 = arith.mulf %slice3A_34, %mul3A_38 : vector<128x128xf32>
    %reduce_sum3A_40 = arith.constant dense<0.000000e+00> : vector<128xf32>
    %reduce_sum3A_41 = vector.multi_reduction <add>, %mul3A_39, %reduce_sum3A_40 [1] : vector<128x128xf32> to vector<128xf32>
    %broadcast_in_dim3A_42 = vector.shape_cast %reduce_sum3A_41 : vector<128xf32> to vector<128x1xf32>
    %slice3A_43 = vector.extract_strided_slice %get3A_1 {offsets = [640, 0], sizes = [128, 128], strides = [1, 1]} : vector<2048x128xf32> to vector<128x128xf32>
    %get3A_44 = arith.constant 0 : index
    %get3A_45 = arith.constant 0 : index
    %get3A_46 = vector.load %arg2[%get3A_44, %get3A_45] : memref<1x128xf32, #tpu.memory_space<vmem>>, vector<1x128xf32>
    %mul3A_47 = vector.broadcast %get3A_46 : vector<1x128xf32> to vector<128x128xf32>
    %mul3A_48 = arith.mulf %slice3A_43, %mul3A_47 : vector<128x128xf32>
    %reduce_sum3A_49 = arith.constant dense<0.000000e+00> : vector<128xf32>
    %reduce_sum3A_50 = vector.multi_reduction <add>, %mul3A_48, %reduce_sum3A_49 [1] : vector<128x128xf32> to vector<128xf32>
    %broadcast_in_dim3A_51 = vector.shape_cast %reduce_sum3A_50 : vector<128xf32> to vector<128x1xf32>
    %slice3A_52 = vector.extract_strided_slice %get3A_1 {offsets = [768, 0], sizes = [128, 128], strides = [1, 1]} : vector<2048x128xf32> to vector<128x128xf32>
    %get3A_53 = arith.constant 0 : index
    %get3A_54 = arith.constant 0 : index
    %get3A_55 = vector.load %arg2[%get3A_53, %get3A_54] : memref<1x128xf32, #tpu.memory_space<vmem>>, vector<1x128xf32>
    %mul3A_56 = vector.broadcast %get3A_55 : vector<1x128xf32> to vector<128x128xf32>
    %mul3A_57 = arith.mulf %slice3A_52, %mul3A_56 : vector<128x128xf32>
    %reduce_sum3A_58 = arith.constant dense<0.000000e+00> : vector<128xf32>
    %reduce_sum3A_59 = vector.multi_reduction <add>, %mul3A_57, %reduce_sum3A_58 [1] : vector<128x128xf32> to vector<128xf32>
    %broadcast_in_dim3A_60 = vector.shape_cast %reduce_sum3A_59 : vector<128xf32> to vector<128x1xf32>
    %slice3A_61 = vector.extract_strided_slice %get3A_1 {offsets = [896, 0], sizes = [128, 128], strides = [1, 1]} : vector<2048x128xf32> to vector<128x128xf32>
    %get3A_62 = arith.constant 0 : index
    %get3A_63 = arith.constant 0 : index
    %get3A_64 = vector.load %arg2[%get3A_62, %get3A_63] : memref<1x128xf32, #tpu.memory_space<vmem>>, vector<1x128xf32>
    %mul3A_65 = vector.broadcast %get3A_64 : vector<1x128xf32> to vector<128x128xf32>
    %mul3A_66 = arith.mulf %slice3A_61, %mul3A_65 : vector<128x128xf32>
    %reduce_sum3A_67 = arith.constant dense<0.000000e+00> : vector<128xf32>
    %reduce_sum3A_68 = vector.multi_reduction <add>, %mul3A_66, %reduce_sum3A_67 [1] : vector<128x128xf32> to vector<128xf32>
    %broadcast_in_dim3A_69 = vector.shape_cast %reduce_sum3A_68 : vector<128xf32> to vector<128x1xf32>
    %slice3A_70 = vector.extract_strided_slice %get3A_1 {offsets = [1024, 0], sizes = [128, 128], strides = [1, 1]} : vector<2048x128xf32> to vector<128x128xf32>
    %get3A_71 = arith.constant 0 : index
    %get3A_72 = arith.constant 0 : index
    %get3A_73 = vector.load %arg2[%get3A_71, %get3A_72] : memref<1x128xf32, #tpu.memory_space<vmem>>, vector<1x128xf32>
    %mul3A_74 = vector.broadcast %get3A_73 : vector<1x128xf32> to vector<128x128xf32>
    %mul3A_75 = arith.mulf %slice3A_70, %mul3A_74 : vector<128x128xf32>
    %reduce_sum3A_76 = arith.constant dense<0.000000e+00> : vector<128xf32>
    %reduce_sum3A_77 = vector.multi_reduction <add>, %mul3A_75, %reduce_sum3A_76 [1] : vector<128x128xf32> to vector<128xf32>
    %broadcast_in_dim3A_78 = vector.shape_cast %reduce_sum3A_77 : vector<128xf32> to vector<128x1xf32>
    %slice3A_79 = vector.extract_strided_slice %get3A_1 {offsets = [1152, 0], sizes = [128, 128], strides = [1, 1]} : vector<2048x128xf32> to vector<128x128xf32>
    %get3A_80 = arith.constant 0 : index
    %get3A_81 = arith.constant 0 : index
    %get3A_82 = vector.load %arg2[%get3A_80, %get3A_81] : memref<1x128xf32, #tpu.memory_space<vmem>>, vector<1x128xf32>
    %mul3A_83 = vector.broadcast %get3A_82 : vector<1x128xf32> to vector<128x128xf32>
    %mul3A_84 = arith.mulf %slice3A_79, %mul3A_83 : vector<128x128xf32>
    %reduce_sum3A_85 = arith.constant dense<0.000000e+00> : vector<128xf32>
    %reduce_sum3A_86 = vector.multi_reduction <add>, %mul3A_84, %reduce_sum3A_85 [1] : vector<128x128xf32> to vector<128xf32>
    %broadcast_in_dim3A_87 = vector.shape_cast %reduce_sum3A_86 : vector<128xf32> to vector<128x1xf32>
    %slice3A_88 = vector.extract_strided_slice %get3A_1 {offsets = [1280, 0], sizes = [128, 128], strides = [1, 1]} : vector<2048x128xf32> to vector<128x128xf32>
    %get3A_89 = arith.constant 0 : index
    %get3A_90 = arith.constant 0 : index
    %get3A_91 = vector.load %arg2[%get3A_89, %get3A_90] : memref<1x128xf32, #tpu.memory_space<vmem>>, vector<1x128xf32>
    %mul3A_92 = vector.broadcast %get3A_91 : vector<1x128xf32> to vector<128x128xf32>
    %mul3A_93 = arith.mulf %slice3A_88, %mul3A_92 : vector<128x128xf32>
    %reduce_sum3A_94 = arith.constant dense<0.000000e+00> : vector<128xf32>
    %reduce_sum3A_95 = vector.multi_reduction <add>, %mul3A_93, %reduce_sum3A_94 [1] : vector<128x128xf32> to vector<128xf32>
    %broadcast_in_dim3A_96 = vector.shape_cast %reduce_sum3A_95 : vector<128xf32> to vector<128x1xf32>
    %slice3A_97 = vector.extract_strided_slice %get3A_1 {offsets = [1408, 0], sizes = [128, 128], strides = [1, 1]} : vector<2048x128xf32> to vector<128x128xf32>
    %get3A_98 = arith.constant 0 : index
    %get3A_99 = arith.constant 0 : index
    %get3A_100 = vector.load %arg2[%get3A_98, %get3A_99] : memref<1x128xf32, #tpu.memory_space<vmem>>, vector<1x128xf32>
    %mul3A_101 = vector.broadcast %get3A_100 : vector<1x128xf32> to vector<128x128xf32>
    %mul3A_102 = arith.mulf %slice3A_97, %mul3A_101 : vector<128x128xf32>
    %reduce_sum3A_103 = arith.constant dense<0.000000e+00> : vector<128xf32>
    %reduce_sum3A_104 = vector.multi_reduction <add>, %mul3A_102, %reduce_sum3A_103 [1] : vector<128x128xf32> to vector<128xf32>
    %broadcast_in_dim3A_105 = vector.shape_cast %reduce_sum3A_104 : vector<128xf32> to vector<128x1xf32>
    %slice3A_106 = vector.extract_strided_slice %get3A_1 {offsets = [1536, 0], sizes = [128, 128], strides = [1, 1]} : vector<2048x128xf32> to vector<128x128xf32>
    %get3A_107 = arith.constant 0 : index
    %get3A_108 = arith.constant 0 : index
    %get3A_109 = vector.load %arg2[%get3A_107, %get3A_108] : memref<1x128xf32, #tpu.memory_space<vmem>>, vector<1x128xf32>
    %mul3A_110 = vector.broadcast %get3A_109 : vector<1x128xf32> to vector<128x128xf32>
    %mul3A_111 = arith.mulf %slice3A_106, %mul3A_110 : vector<128x128xf32>
    %reduce_sum3A_112 = arith.constant dense<0.000000e+00> : vector<128xf32>
    %reduce_sum3A_113 = vector.multi_reduction <add>, %mul3A_111, %reduce_sum3A_112 [1] : vector<128x128xf32> to vector<128xf32>
    %broadcast_in_dim3A_114 = vector.shape_cast %reduce_sum3A_113 : vector<128xf32> to vector<128x1xf32>
    %slice3A_115 = vector.extract_strided_slice %get3A_1 {offsets = [1664, 0], sizes = [128, 128], strides = [1, 1]} : vector<2048x128xf32> to vector<128x128xf32>
    %get3A_116 = arith.constant 0 : index
    %get3A_117 = arith.constant 0 : index
    %get3A_118 = vector.load %arg2[%get3A_116, %get3A_117] : memref<1x128xf32, #tpu.memory_space<vmem>>, vector<1x128xf32>
    %mul3A_119 = vector.broadcast %get3A_118 : vector<1x128xf32> to vector<128x128xf32>
    %mul3A_120 = arith.mulf %slice3A_115, %mul3A_119 : vector<128x128xf32>
    %reduce_sum3A_121 = arith.constant dense<0.000000e+00> : vector<128xf32>
    %reduce_sum3A_122 = vector.multi_reduction <add>, %mul3A_120, %reduce_sum3A_121 [1] : vector<128x128xf32> to vector<128xf32>
    %broadcast_in_dim3A_123 = vector.shape_cast %reduce_sum3A_122 : vector<128xf32> to vector<128x1xf32>
    %slice3A_124 = vector.extract_strided_slice %get3A_1 {offsets = [1792, 0], sizes = [128, 128], strides = [1, 1]} : vector<2048x128xf32> to vector<128x128xf32>
    %get3A_125 = arith.constant 0 : index
    %get3A_126 = arith.constant 0 : index
    %get3A_127 = vector.load %arg2[%get3A_125, %get3A_126] : memref<1x128xf32, #tpu.memory_space<vmem>>, vector<1x128xf32>
    %mul3A_128 = vector.broadcast %get3A_127 : vector<1x128xf32> to vector<128x128xf32>
    %mul3A_129 = arith.mulf %slice3A_124, %mul3A_128 : vector<128x128xf32>
    %reduce_sum3A_130 = arith.constant dense<0.000000e+00> : vector<128xf32>
    %reduce_sum3A_131 = vector.multi_reduction <add>, %mul3A_129, %reduce_sum3A_130 [1] : vector<128x128xf32> to vector<128xf32>
    %broadcast_in_dim3A_132 = vector.shape_cast %reduce_sum3A_131 : vector<128xf32> to vector<128x1xf32>
    %slice3A_133 = vector.extract_strided_slice %get3A_1 {offsets = [1920, 0], sizes = [128, 128], strides = [1, 1]} : vector<2048x128xf32> to vector<128x128xf32>
    %get3A_134 = arith.constant 0 : index
    %get3A_135 = arith.constant 0 : index
    %get3A_136 = vector.load %arg2[%get3A_134, %get3A_135] : memref<1x128xf32, #tpu.memory_space<vmem>>, vector<1x128xf32>
    %mul3A_137 = vector.broadcast %get3A_136 : vector<1x128xf32> to vector<128x128xf32>
    %mul3A_138 = arith.mulf %slice3A_133, %mul3A_137 : vector<128x128xf32>
    %reduce_sum3A_139 = arith.constant dense<0.000000e+00> : vector<128xf32>
    %reduce_sum3A_140 = vector.multi_reduction <add>, %mul3A_138, %reduce_sum3A_139 [1] : vector<128x128xf32> to vector<128xf32>
    %broadcast_in_dim3A_141 = vector.shape_cast %reduce_sum3A_140 : vector<128xf32> to vector<128x1xf32>
    %concatenate3A = tpu.concatenate %broadcast_in_dim3A, %broadcast_in_dim3A_15, %broadcast_in_dim3A_24, %broadcast_in_dim3A_33, %broadcast_in_dim3A_42, %broadcast_in_dim3A_51, %broadcast_in_dim3A_60, %broadcast_in_dim3A_69, %broadcast_in_dim3A_78, %broadcast_in_dim3A_87, %broadcast_in_dim3A_96, %broadcast_in_dim3A_105, %broadcast_in_dim3A_114, %broadcast_in_dim3A_123, %broadcast_in_dim3A_132, %broadcast_in_dim3A_141 in 1 : vector<128x1xf32>, vector<128x1xf32>, vector<128x1xf32>, vector<128x1xf32>, vector<128x1xf32>, vector<128x1xf32>, vector<128x1xf32>, vector<128x1xf32>, vector<128x1xf32>, vector<128x1xf32>, vector<128x1xf32>, vector<128x1xf32>, vector<128x1xf32>, vector<128x1xf32>, vector<128x1xf32>, vector<128x1xf32> -> vector<128x16xf32>
    %get3A_142 = arith.constant 0 : index
    %get3A_143 = arith.constant 0 : index
    %get3A_144 = vector.load %arg3[%get3A_142, %get3A_143] : memref<16x128xf32, #tpu.memory_space<vmem>>, vector<16x128xf32>
    %get3A_145 = arith.constant 0 : index
    %get3A_146 = arith.constant 0 : index
    %get3A_147 = vector.load %arg4[%get3A_145, %get3A_146] : memref<16x128xf32, #tpu.memory_space<vmem>>, vector<16x128xf32>
    %add3A = arith.addf %get3A_144, %get3A_147 : vector<16x128xf32>
    %iota3A = tpu.iota {dimensions = array<i32: 0>} : vector<16x16xi32>
    %iota3A_148 = tpu.iota {dimensions = array<i32: 1>} : vector<16x16xi32>
    %eq3A = arith.cmpi eq, %iota3A, %iota3A_148 : vector<16x16xi32>
    %convert_element_type3A = arith.extui %eq3A : vector<16x16xi1> to vector<16x16xi32>
    %convert_element_type3A_149 = arith.sitofp %convert_element_type3A : vector<16x16xi32> to vector<16x16xf32>
    %mul3A_150 = arith.constant 1.000000e+00 : f32
    %mul3A_151 = vector.broadcast %mul3A_150 : f32 to vector<16x16xf32>
    %mul3A_152 = arith.mulf %mul3A_151, %convert_element_type3A_149 : vector<16x16xf32>
    %dot_general3A = arith.constant dense<0.000000e+00> : vector<128x16xf32>
    %dot_general3A_153 = tpu.matmul %add3A, %mul3A_152, %dot_general3A {dimension_numbers = #tpu.dot_dimension_numbers<[0], [0], [1], [1], [0, 1, 1, 1], [], []>, precision = #tpu.contract_precision<fp32>, transpose_lhs_hint = false} : vector<16x128xf32>, vector<16x16xf32>, vector<128x16xf32> -> vector<128x16xf32>
    %get3A_154 = arith.constant 0 : index
    %get3A_155 = memref.load %arg5[%get3A_154] : memref<2xf32, #tpu.memory_space<smem>>
    %mul3A_156 = vector.broadcast %get3A_155 : f32 to vector<128x16xf32>
    %mul3A_157 = arith.mulf %mul3A_156, %concatenate3A : vector<128x16xf32>
    %get3A_158 = arith.constant 1 : index
    %get3A_159 = memref.load %arg5[%get3A_158] : memref<2xf32, #tpu.memory_space<smem>>
    %mul3A_160 = vector.broadcast %get3A_159 : f32 to vector<128x16xf32>
    %mul3A_161 = arith.mulf %mul3A_160, %dot_general3A_153 : vector<128x16xf32>
    %add3A_162 = arith.addf %mul3A_157, %mul3A_161 : vector<128x16xf32>
    %neg3A = arith.constant 0.000000e+00 : f32
    %neg3A_163 = vector.broadcast %neg3A : f32 to vector<128x16xf32>
    %neg3A_164 = arith.subf %neg3A_163, %add3A_162 : vector<128x16xf32>
    %exp3A = math.exp %neg3A_164 : vector<128x16xf32>
    %add3A_165 = arith.constant 1.000000e+00 : f32
    %add3A_166 = vector.broadcast %add3A_165 : f32 to vector<128x16xf32>
    %add3A_167 = arith.addf %add3A_166, %exp3A : vector<128x16xf32>
    %div3A = arith.constant 1.000000e+00 : f32
    %div3A_168 = vector.broadcast %div3A : f32 to vector<128x16xf32>
    %div3A_169 = arith.divf %div3A_168, %add3A_167 : vector<128x16xf32>
    %slice3A_170 = vector.extract_strided_slice %get3A_1 {offsets = [0, 0], sizes = [128, 128], strides = [1, 1]} : vector<2048x128xf32> to vector<128x128xf32>
    %slice3A_171 = vector.extract_strided_slice %div3A_169 {offsets = [0, 0], sizes = [128, 1], strides = [1, 1]} : vector<128x16xf32> to vector<128x1xf32>
    %mul3A_172 = vector.broadcast %slice3A_171 : vector<128x1xf32> to vector<128x128xf32>
    %mul3A_173 = arith.mulf %slice3A_170, %mul3A_172 : vector<128x128xf32>
    %swap3A = arith.constant 0 : index
    %swap3A_174 = arith.constant 0 : index
    %swap3A_175 = vector.load %arg6[%swap3A, %swap3A_174] : memref<2048x128xf32, #tpu.memory_space<vmem>>, vector<128x128xf32>
    tpu.vector_store %arg6[%swap3A, %swap3A_174], %mul3A_173 {strides = array<i32>} : memref<2048x128xf32, #tpu.memory_space<vmem>>, vector<128x128xf32>,
    %slice3A_176 = vector.extract_strided_slice %get3A_1 {offsets = [128, 0], sizes = [128, 128], strides = [1, 1]} : vector<2048x128xf32> to vector<128x128xf32>
    %slice3A_177 = vector.extract_strided_slice %div3A_169 {offsets = [0, 1], sizes = [128, 1], strides = [1, 1]} : vector<128x16xf32> to vector<128x1xf32>
    %mul3A_178 = vector.broadcast %slice3A_177 : vector<128x1xf32> to vector<128x128xf32>
    %mul3A_179 = arith.mulf %slice3A_176, %mul3A_178 : vector<128x128xf32>
    %swap3A_180 = arith.constant 128 : index
    %swap3A_181 = arith.constant 0 : index
    %swap3A_182 = vector.load %arg6[%swap3A_180, %swap3A_181] : memref<2048x128xf32, #tpu.memory_space<vmem>>, vector<128x128xf32>
    tpu.vector_store %arg6[%swap3A_180, %swap3A_181], %mul3A_179 {strides = array<i32>} : memref<2048x128xf32, #tpu.memory_space<vmem>>, vector<128x128xf32>,
    %slice3A_183 = vector.extract_strided_slice %get3A_1 {offsets = [256, 0], sizes = [128, 128], strides = [1, 1]} : vector<2048x128xf32> to vector<128x128xf32>
    %slice3A_184 = vector.extract_strided_slice %div3A_169 {offsets = [0, 2], sizes = [128, 1], strides = [1, 1]} : vector<128x16xf32> to vector<128x1xf32>
    %mul3A_185 = vector.broadcast %slice3A_184 : vector<128x1xf32> to vector<128x128xf32>
    %mul3A_186 = arith.mulf %slice3A_183, %mul3A_185 : vector<128x128xf32>
    %swap3A_187 = arith.constant 256 : index
    %swap3A_188 = arith.constant 0 : index
    %swap3A_189 = vector.load %arg6[%swap3A_187, %swap3A_188] : memref<2048x128xf32, #tpu.memory_space<vmem>>, vector<128x128xf32>
    tpu.vector_store %arg6[%swap3A_187, %swap3A_188], %mul3A_186 {strides = array<i32>} : memref<2048x128xf32, #tpu.memory_space<vmem>>, vector<128x128xf32>,
    %slice3A_190 = vector.extract_strided_slice %get3A_1 {offsets = [384, 0], sizes = [128, 128], strides = [1, 1]} : vector<2048x128xf32> to vector<128x128xf32>
    %slice3A_191 = vector.extract_strided_slice %div3A_169 {offsets = [0, 3], sizes = [128, 1], strides = [1, 1]} : vector<128x16xf32> to vector<128x1xf32>
    %mul3A_192 = vector.broadcast %slice3A_191 : vector<128x1xf32> to vector<128x128xf32>
    %mul3A_193 = arith.mulf %slice3A_190, %mul3A_192 : vector<128x128xf32>
    %swap3A_194 = arith.constant 384 : index
    %swap3A_195 = arith.constant 0 : index
    %swap3A_196 = vector.load %arg6[%swap3A_194, %swap3A_195] : memref<2048x128xf32, #tpu.memory_space<vmem>>, vector<128x128xf32>
    tpu.vector_store %arg6[%swap3A_194, %swap3A_195], %mul3A_193 {strides = array<i32>} : memref<2048x128xf32, #tpu.memory_space<vmem>>, vector<128x128xf32>,
    %slice3A_197 = vector.extract_strided_slice %get3A_1 {offsets = [512, 0], sizes = [128, 128], strides = [1, 1]} : vector<2048x128xf32> to vector<128x128xf32>
    %slice3A_198 = vector.extract_strided_slice %div3A_169 {offsets = [0, 4], sizes = [128, 1], strides = [1, 1]} : vector<128x16xf32> to vector<128x1xf32>
    %mul3A_199 = vector.broadcast %slice3A_198 : vector<128x1xf32> to vector<128x128xf32>
    %mul3A_200 = arith.mulf %slice3A_197, %mul3A_199 : vector<128x128xf32>
    %swap3A_201 = arith.constant 512 : index
    %swap3A_202 = arith.constant 0 : index
    %swap3A_203 = vector.load %arg6[%swap3A_201, %swap3A_202] : memref<2048x128xf32, #tpu.memory_space<vmem>>, vector<128x128xf32>
    tpu.vector_store %arg6[%swap3A_201, %swap3A_202], %mul3A_200 {strides = array<i32>} : memref<2048x128xf32, #tpu.memory_space<vmem>>, vector<128x128xf32>,
    %slice3A_204 = vector.extract_strided_slice %get3A_1 {offsets = [640, 0], sizes = [128, 128], strides = [1, 1]} : vector<2048x128xf32> to vector<128x128xf32>
    %slice3A_205 = vector.extract_strided_slice %div3A_169 {offsets = [0, 5], sizes = [128, 1], strides = [1, 1]} : vector<128x16xf32> to vector<128x1xf32>
    %mul3A_206 = vector.broadcast %slice3A_205 : vector<128x1xf32> to vector<128x128xf32>
    %mul3A_207 = arith.mulf %slice3A_204, %mul3A_206 : vector<128x128xf32>
    %swap3A_208 = arith.constant 640 : index
    %swap3A_209 = arith.constant 0 : index
    %swap3A_210 = vector.load %arg6[%swap3A_208, %swap3A_209] : memref<2048x128xf32, #tpu.memory_space<vmem>>, vector<128x128xf32>
    tpu.vector_store %arg6[%swap3A_208, %swap3A_209], %mul3A_207 {strides = array<i32>} : memref<2048x128xf32, #tpu.memory_space<vmem>>, vector<128x128xf32>,
    %slice3A_211 = vector.extract_strided_slice %get3A_1 {offsets = [768, 0], sizes = [128, 128], strides = [1, 1]} : vector<2048x128xf32> to vector<128x128xf32>
    %slice3A_212 = vector.extract_strided_slice %div3A_169 {offsets = [0, 6], sizes = [128, 1], strides = [1, 1]} : vector<128x16xf32> to vector<128x1xf32>
    %mul3A_213 = vector.broadcast %slice3A_212 : vector<128x1xf32> to vector<128x128xf32>
    %mul3A_214 = arith.mulf %slice3A_211, %mul3A_213 : vector<128x128xf32>
    %swap3A_215 = arith.constant 768 : index
    %swap3A_216 = arith.constant 0 : index
    %swap3A_217 = vector.load %arg6[%swap3A_215, %swap3A_216] : memref<2048x128xf32, #tpu.memory_space<vmem>>, vector<128x128xf32>
    tpu.vector_store %arg6[%swap3A_215, %swap3A_216], %mul3A_214 {strides = array<i32>} : memref<2048x128xf32, #tpu.memory_space<vmem>>, vector<128x128xf32>,
    %slice3A_218 = vector.extract_strided_slice %get3A_1 {offsets = [896, 0], sizes = [128, 128], strides = [1, 1]} : vector<2048x128xf32> to vector<128x128xf32>
    %slice3A_219 = vector.extract_strided_slice %div3A_169 {offsets = [0, 7], sizes = [128, 1], strides = [1, 1]} : vector<128x16xf32> to vector<128x1xf32>
    %mul3A_220 = vector.broadcast %slice3A_219 : vector<128x1xf32> to vector<128x128xf32>
    %mul3A_221 = arith.mulf %slice3A_218, %mul3A_220 : vector<128x128xf32>
    %swap3A_222 = arith.constant 896 : index
    %swap3A_223 = arith.constant 0 : index
    %swap3A_224 = vector.load %arg6[%swap3A_222, %swap3A_223] : memref<2048x128xf32, #tpu.memory_space<vmem>>, vector<128x128xf32>
    tpu.vector_store %arg6[%swap3A_222, %swap3A_223], %mul3A_221 {strides = array<i32>} : memref<2048x128xf32, #tpu.memory_space<vmem>>, vector<128x128xf32>,
    %slice3A_225 = vector.extract_strided_slice %get3A_1 {offsets = [1024, 0], sizes = [128, 128], strides = [1, 1]} : vector<2048x128xf32> to vector<128x128xf32>
    %slice3A_226 = vector.extract_strided_slice %div3A_169 {offsets = [0, 8], sizes = [128, 1], strides = [1, 1]} : vector<128x16xf32> to vector<128x1xf32>
    %mul3A_227 = vector.broadcast %slice3A_226 : vector<128x1xf32> to vector<128x128xf32>
    %mul3A_228 = arith.mulf %slice3A_225, %mul3A_227 : vector<128x128xf32>
    %swap3A_229 = arith.constant 1024 : index
    %swap3A_230 = arith.constant 0 : index
    %swap3A_231 = vector.load %arg6[%swap3A_229, %swap3A_230] : memref<2048x128xf32, #tpu.memory_space<vmem>>, vector<128x128xf32>
    tpu.vector_store %arg6[%swap3A_229, %swap3A_230], %mul3A_228 {strides = array<i32>} : memref<2048x128xf32, #tpu.memory_space<vmem>>, vector<128x128xf32>,
    %slice3A_232 = vector.extract_strided_slice %get3A_1 {offsets = [1152, 0], sizes = [128, 128], strides = [1, 1]} : vector<2048x128xf32> to vector<128x128xf32>
    %slice3A_233 = vector.extract_strided_slice %div3A_169 {offsets = [0, 9], sizes = [128, 1], strides = [1, 1]} : vector<128x16xf32> to vector<128x1xf32>
    %mul3A_234 = vector.broadcast %slice3A_233 : vector<128x1xf32> to vector<128x128xf32>
    %mul3A_235 = arith.mulf %slice3A_232, %mul3A_234 : vector<128x128xf32>
    %swap3A_236 = arith.constant 1152 : index
    %swap3A_237 = arith.constant 0 : index
    %swap3A_238 = vector.load %arg6[%swap3A_236, %swap3A_237] : memref<2048x128xf32, #tpu.memory_space<vmem>>, vector<128x128xf32>
    tpu.vector_store %arg6[%swap3A_236, %swap3A_237], %mul3A_235 {strides = array<i32>} : memref<2048x128xf32, #tpu.memory_space<vmem>>, vector<128x128xf32>,
    %slice3A_239 = vector.extract_strided_slice %get3A_1 {offsets = [1280, 0], sizes = [128, 128], strides = [1, 1]} : vector<2048x128xf32> to vector<128x128xf32>
    %slice3A_240 = vector.extract_strided_slice %div3A_169 {offsets = [0, 10], sizes = [128, 1], strides = [1, 1]} : vector<128x16xf32> to vector<128x1xf32>
    %mul3A_241 = vector.broadcast %slice3A_240 : vector<128x1xf32> to vector<128x128xf32>
    %mul3A_242 = arith.mulf %slice3A_239, %mul3A_241 : vector<128x128xf32>
    %swap3A_243 = arith.constant 1280 : index
    %swap3A_244 = arith.constant 0 : index
    %swap3A_245 = vector.load %arg6[%swap3A_243, %swap3A_244] : memref<2048x128xf32, #tpu.memory_space<vmem>>, vector<128x128xf32>
    tpu.vector_store %arg6[%swap3A_243, %swap3A_244], %mul3A_242 {strides = array<i32>} : memref<2048x128xf32, #tpu.memory_space<vmem>>, vector<128x128xf32>,
    %slice3A_246 = vector.extract_strided_slice %get3A_1 {offsets = [1408, 0], sizes = [128, 128], strides = [1, 1]} : vector<2048x128xf32> to vector<128x128xf32>
    %slice3A_247 = vector.extract_strided_slice %div3A_169 {offsets = [0, 11], sizes = [128, 1], strides = [1, 1]} : vector<128x16xf32> to vector<128x1xf32>
    %mul3A_248 = vector.broadcast %slice3A_247 : vector<128x1xf32> to vector<128x128xf32>
    %mul3A_249 = arith.mulf %slice3A_246, %mul3A_248 : vector<128x128xf32>
    %swap3A_250 = arith.constant 1408 : index
    %swap3A_251 = arith.constant 0 : index
    %swap3A_252 = vector.load %arg6[%swap3A_250, %swap3A_251] : memref<2048x128xf32, #tpu.memory_space<vmem>>, vector<128x128xf32>
    tpu.vector_store %arg6[%swap3A_250, %swap3A_251], %mul3A_249 {strides = array<i32>} : memref<2048x128xf32, #tpu.memory_space<vmem>>, vector<128x128xf32>,
    %slice3A_253 = vector.extract_strided_slice %get3A_1 {offsets = [1536, 0], sizes = [128, 128], strides = [1, 1]} : vector<2048x128xf32> to vector<128x128xf32>
    %slice3A_254 = vector.extract_strided_slice %div3A_169 {offsets = [0, 12], sizes = [128, 1], strides = [1, 1]} : vector<128x16xf32> to vector<128x1xf32>
    %mul3A_255 = vector.broadcast %slice3A_254 : vector<128x1xf32> to vector<128x128xf32>
    %mul3A_256 = arith.mulf %slice3A_253, %mul3A_255 : vector<128x128xf32>
    %swap3A_257 = arith.constant 1536 : index
    %swap3A_258 = arith.constant 0 : index
    %swap3A_259 = vector.load %arg6[%swap3A_257, %swap3A_258] : memref<2048x128xf32, #tpu.memory_space<vmem>>, vector<128x128xf32>
    tpu.vector_store %arg6[%swap3A_257, %swap3A_258], %mul3A_256 {strides = array<i32>} : memref<2048x128xf32, #tpu.memory_space<vmem>>, vector<128x128xf32>,
    %slice3A_260 = vector.extract_strided_slice %get3A_1 {offsets = [1664, 0], sizes = [128, 128], strides = [1, 1]} : vector<2048x128xf32> to vector<128x128xf32>
    %slice3A_261 = vector.extract_strided_slice %div3A_169 {offsets = [0, 13], sizes = [128, 1], strides = [1, 1]} : vector<128x16xf32> to vector<128x1xf32>
    %mul3A_262 = vector.broadcast %slice3A_261 : vector<128x1xf32> to vector<128x128xf32>
    %mul3A_263 = arith.mulf %slice3A_260, %mul3A_262 : vector<128x128xf32>
    %swap3A_264 = arith.constant 1664 : index
    %swap3A_265 = arith.constant 0 : index
    %swap3A_266 = vector.load %arg6[%swap3A_264, %swap3A_265] : memref<2048x128xf32, #tpu.memory_space<vmem>>, vector<128x128xf32>
    tpu.vector_store %arg6[%swap3A_264, %swap3A_265], %mul3A_263 {strides = array<i32>} : memref<2048x128xf32, #tpu.memory_space<vmem>>, vector<128x128xf32>,
    %slice3A_267 = vector.extract_strided_slice %get3A_1 {offsets = [1792, 0], sizes = [128, 128], strides = [1, 1]} : vector<2048x128xf32> to vector<128x128xf32>
    %slice3A_268 = vector.extract_strided_slice %div3A_169 {offsets = [0, 14], sizes = [128, 1], strides = [1, 1]} : vector<128x16xf32> to vector<128x1xf32>
    %mul3A_269 = vector.broadcast %slice3A_268 : vector<128x1xf32> to vector<128x128xf32>
    %mul3A_270 = arith.mulf %slice3A_267, %mul3A_269 : vector<128x128xf32>
    %swap3A_271 = arith.constant 1792 : index
    %swap3A_272 = arith.constant 0 : index
    %swap3A_273 = vector.load %arg6[%swap3A_271, %swap3A_272] : memref<2048x128xf32, #tpu.memory_space<vmem>>, vector<128x128xf32>
    tpu.vector_store %arg6[%swap3A_271, %swap3A_272], %mul3A_270 {strides = array<i32>} : memref<2048x128xf32, #tpu.memory_space<vmem>>, vector<128x128xf32>,
    %slice3A_274 = vector.extract_strided_slice %get3A_1 {offsets = [1920, 0], sizes = [128, 128], strides = [1, 1]} : vector<2048x128xf32> to vector<128x128xf32>
    %slice3A_275 = vector.extract_strided_slice %div3A_169 {offsets = [0, 15], sizes = [128, 1], strides = [1, 1]} : vector<128x16xf32> to vector<128x1xf32>
    %mul3A_276 = vector.broadcast %slice3A_275 : vector<128x1xf32> to vector<128x128xf32>
    %mul3A_277 = arith.mulf %slice3A_274, %mul3A_276 : vector<128x128xf32>
    %swap3A_278 = arith.constant 1920 : index
    %swap3A_279 = arith.constant 0 : index
    %swap3A_280 = vector.load %arg6[%swap3A_278, %swap3A_279] : memref<2048x128xf32, #tpu.memory_space<vmem>>, vector<128x128xf32>
    tpu.vector_store %arg6[%swap3A_278, %swap3A_279], %mul3A_277 {strides = array<i32>} : memref<2048x128xf32, #tpu.memory_space<vmem>>, vector<128x128xf32>,
    %iota3A_281 = tpu.iota {dimensions = array<i32: 0>} : vector<128x128xi32>
    %iota3A_282 = tpu.iota {dimensions = array<i32: 1>} : vector<128x128xi32>
    %eq3A_283 = arith.cmpi eq, %iota3A_281, %iota3A_282 : vector<128x128xi32>
    %convert_element_type3A_284 = arith.extui %eq3A_283 : vector<128x128xi1> to vector<128x128xi32>
    %convert_element_type3A_285 = arith.sitofp %convert_element_type3A_284 : vector<128x128xi32> to vector<128x128xf32>
    %mul3A_286 = arith.constant 1.000000e+00 : f32
    %mul3A_287 = vector.broadcast %mul3A_286 : f32 to vector<128x128xf32>
    %mul3A_288 = arith.mulf %mul3A_287, %convert_element_type3A_285 : vector<128x128xf32>
    %dot_general3A_289 = arith.constant dense<0.000000e+00> : vector<16x128xf32>
    %dot_general3A_290 = tpu.matmul %div3A_169, %mul3A_288, %dot_general3A_289 {dimension_numbers = #tpu.dot_dimension_numbers<[0], [0], [1], [1], [0, 1, 1, 1], [], []>, precision = #tpu.contract_precision<fp32>, transpose_lhs_hint = false} : vector<128x16xf32>, vector<128x128xf32>, vector<16x128xf32> -> vector<16x128xf32>
    %slice3A_291 = vector.extract_strided_slice %dot_general3A_290 {offsets = [0, 0], sizes = [1, 128], strides = [1, 1]} : vector<16x128xf32> to vector<1x128xf32>
    %slice3A_292 = vector.extract_strided_slice %dot_general3A_290 {offsets = [1, 0], sizes = [1, 128], strides = [1, 1]} : vector<16x128xf32> to vector<1x128xf32>
    %slice3A_293 = vector.extract_strided_slice %dot_general3A_290 {offsets = [2, 0], sizes = [1, 128], strides = [1, 1]} : vector<16x128xf32> to vector<1x128xf32>
    %slice3A_294 = vector.extract_strided_slice %dot_general3A_290 {offsets = [3, 0], sizes = [1, 128], strides = [1, 1]} : vector<16x128xf32> to vector<1x128xf32>
    %slice3A_295 = vector.extract_strided_slice %dot_general3A_290 {offsets = [4, 0], sizes = [1, 128], strides = [1, 1]} : vector<16x128xf32> to vector<1x128xf32>
    %slice3A_296 = vector.extract_strided_slice %dot_general3A_290 {offsets = [5, 0], sizes = [1, 128], strides = [1, 1]} : vector<16x128xf32> to vector<1x128xf32>
    %slice3A_297 = vector.extract_strided_slice %dot_general3A_290 {offsets = [6, 0], sizes = [1, 128], strides = [1, 1]} : vector<16x128xf32> to vector<1x128xf32>
    %slice3A_298 = vector.extract_strided_slice %dot_general3A_290 {offsets = [7, 0], sizes = [1, 128], strides = [1, 1]} : vector<16x128xf32> to vector<1x128xf32>
    %slice3A_299 = vector.extract_strided_slice %dot_general3A_290 {offsets = [8, 0], sizes = [1, 128], strides = [1, 1]} : vector<16x128xf32> to vector<1x128xf32>
    %slice3A_300 = vector.extract_strided_slice %dot_general3A_290 {offsets = [9, 0], sizes = [1, 128], strides = [1, 1]} : vector<16x128xf32> to vector<1x128xf32>
    %slice3A_301 = vector.extract_strided_slice %dot_general3A_290 {offsets = [10, 0], sizes = [1, 128], strides = [1, 1]} : vector<16x128xf32> to vector<1x128xf32>
    %slice3A_302 = vector.extract_strided_slice %dot_general3A_290 {offsets = [11, 0], sizes = [1, 128], strides = [1, 1]} : vector<16x128xf32> to vector<1x128xf32>
    %slice3A_303 = vector.extract_strided_slice %dot_general3A_290 {offsets = [12, 0], sizes = [1, 128], strides = [1, 1]} : vector<16x128xf32> to vector<1x128xf32>
    %slice3A_304 = vector.extract_strided_slice %dot_general3A_290 {offsets = [13, 0], sizes = [1, 128], strides = [1, 1]} : vector<16x128xf32> to vector<1x128xf32>
    %slice3A_305 = vector.extract_strided_slice %dot_general3A_290 {offsets = [14, 0], sizes = [1, 128], strides = [1, 1]} : vector<16x128xf32> to vector<1x128xf32>
    %slice3A_306 = vector.extract_strided_slice %dot_general3A_290 {offsets = [15, 0], sizes = [1, 128], strides = [1, 1]} : vector<16x128xf32> to vector<1x128xf32>
    %concatenate3A_307 = tpu.concatenate %slice3A_291, %slice3A_292, %slice3A_293, %slice3A_294, %slice3A_295, %slice3A_296, %slice3A_297, %slice3A_298, %slice3A_299, %slice3A_300, %slice3A_301, %slice3A_302, %slice3A_303, %slice3A_304, %slice3A_305, %slice3A_306 in 1 : vector<1x128xf32>, vector<1x128xf32>, vector<1x128xf32>, vector<1x128xf32>, vector<1x128xf32>, vector<1x128xf32>, vector<1x128xf32>, vector<1x128xf32>, vector<1x128xf32>, vector<1x128xf32>, vector<1x128xf32>, vector<1x128xf32>, vector<1x128xf32>, vector<1x128xf32>, vector<1x128xf32>, vector<1x128xf32> -> vector<1x2048xf32>
    %squeeze3A = vector.shape_cast %concatenate3A_307 : vector<1x2048xf32> to vector<2048xf32>
    %swap3A_308 = arith.constant 0 : index
    %swap3A_309 = vector.load %arg7[%swap3A_308] : memref<2048xf32, #tpu.memory_space<vmem>>, vector<2048xf32>
    tpu.vector_store %arg7[%swap3A_308], %squeeze3A {strides = array<i32>} : memref<2048xf32, #tpu.memory_space<vmem>>, vector<2048xf32>,
    return
  }
  func.func @transform_0(%arg0: i32) -> (i32, i32) {
    %c0_i32 = arith.constant 0 : i32
    %c0_i32_0 = arith.constant 0 : i32
    return %arg0, %c0_i32 : i32, i32
  }
  func.func @transform_1(%arg0: i32) -> (i32, i32) {
    %c0_i32 = arith.constant 0 : i32
    %c0_i32_0 = arith.constant 0 : i32
    %c0_i32_1 = arith.constant 0 : i32
    return %c0_i32, %c0_i32_0 : i32, i32
  }
  func.func @transform_2(%arg0: i32) -> (i32, i32) {
    %c0_i32 = arith.constant 0 : i32
    %c0_i32_0 = arith.constant 0 : i32
    return %arg0, %c0_i32 : i32, i32
  }
  func.func @transform_3(%arg0: i32) -> (i32, i32) {
    %c0_i32 = arith.constant 0 : i32
    %c0_i32_0 = arith.constant 0 : i32
    return %arg0, %c0_i32 : i32, i32
  }
  func.func @transform_4(%arg0: i32) -> i32 {
    %c0_i32 = arith.constant 0 : i32
    %c0_i32_0 = arith.constant 0 : i32
    return %c0_i32 : i32
  }
  func.func @transform_5(%arg0: i32) -> (i32, i32) {
    %c0_i32 = arith.constant 0 : i32
    %c0_i32_0 = arith.constant 0 : i32
    return %arg0, %c0_i32 : i32, i32
  }
  func.func @transform_6(%arg0: i32) -> i32 {
    %c0_i32 = arith.constant 0 : i32
    return %arg0 : i32
  }
}

</mosaic_0001>

<sc_bundles>
// kernel: kernel.4.cloned.1.call-start
scs
__scs_entry_jumppad:
0x0: {  	(pc) =	sbr.rel $0x88, $3  }
0x1: {  	(tag) =	ssettag $0x0;
	lr =	simm.s32 $0x1  }
0x2: {  	[smem:$0x3F9C] =	sst lr;
	_ =	strace $0xD0000000  }
0x3: {  	_ = 	snop  }
0x4: {  	_ = 	snop  }
0x5: {  	_ = 	snop  }
0x6: {  	_ = 	snop  }
0x7: {  	_ = 	snop  }
__scs_overlays_trampoline_lowered:
0x8: {  	[smem:$0x3FAB] =	sst s0  }
0x9: {  	[smem:$0x3FAC] =	sst s1  }
0xa: {  	[smem:$0x3FAD] =	sst s2  }
0xb: {  	[smem:$0x3FAE] =	sst s3  }
0xc: {  	[smem:$0x3FAF] =	sst s4  }
0xd: {  	[smem:$0x3FB0] =	sst s5  }
0xe: {  	[smem:$0x3FB1] =	sst s6  }
0xf: {  	[smem:$0x3FB2] =	sst s7  }
0x10: {  	[smem:$0x3FB3] =	sst s8  }
0x11: {  	[smem:$0x3FB4] =	sst s9;
	s0 =	simm.s32 @!p0 $0x0  }
0x12: {  	s1 =	sld [smem:$0x3F9A];
	s0 =	simm.s32 @p0 $0x1  }
0x13: {  	[smem:$0x3FB5] =	sst s0;
	s0 =	simm.s32 @!p1 $0x0  }
0x14: {  	s2 =	sld [smem:$0x3F99];
	s0 =	simm.s32 @p1 $0x1  }
0x15: {  	[smem:$0x3FB6] =	sst s0;
	s0 =	simm.s32 @!p2 $0x0  }
0x16: {  	s3 =	sld [smem:$0x3FDB];
	s0 =	simm.s32 @p2 $0x1  }
0x17: {  	s4 =	simm.s32 $0x1BF5;
	[smem:$0x3FB8] =	sst s0  }
0x18: {  	s0 =	sld [smem:$0x3F9B];
	_ =	swait.ge [sflag:s4], $0x0  }
0x19: {  	s7 =	sld [smem:$0x3F9C]  }
0x1a: {  	s8 =	sadd.s32 $0xFFFFE003, lr  }
0x1b: {  	s9 =	sadd.s32 $0xFFFFFEF7, lr;
	s5 =	simm.s32 $0xFFFFFFFF;
	p2 =	slt.u32 s8, $0xFFFFF086  }
0x1c: {  	p1 =	slt.u32 s9, $0xF7A;
	s5 =	simm.s32 @!p2 $0x0  }
0x1d: {  	s5 =	simm.s32 @p1 $0x1;
	p0 =	seq.s32 s7, s2  }
0x1e: {  	s7 =	smul.u32 @!p0 $0xF7A, s2;
	p2 =	seq.s32 @!p0 s5, $0x0  }
0x1f: {  	s9 =	smul.u32 $0xF7A, s1;
	s8 =	simm.s32 @!p0 $0x1BF5;
	p2 =	por !p2, p0  }
0x20: {  	[sflag:s8] =	ssyncset.s32 @!p0 $0xFFFFF086;
	s6 =	sadd.s32 @!p0 s3, s7;
	s7 =	simm.s32 @!p0 $0x108  }
0x21: {  	s3 =	sadd.s32 s3, s9;
	s6 =	sadd.s32 @!p0 $0x88, s6;
	s7 =	simm.s32 @p2 $0x1082  }
0x22: {  	[simem:s7], [sflag:s8] =	dma.local @!p0 [hbm:s6], $0xF7A  }
0x23: {  	s9 =	sor.u32 $0xD0000000, s2;
	s6 =	simm.s32 $0x108;
	_ =	swait.ge @!p0 [sflag:s8], $0x0  }
0x24: {  	s3 =	sadd.s32 $0x88, s3;
	s6 =	simm.s32 @!p1 $0x1082;
	[sflag:s4] =	ssyncset.s32 $0xFFFFF086  }
0x25: {  	[simem:s6], [sflag:s4] =	dma.local [hbm:s3], $0xF7A  }
0x26: {  	[smem:$0x3F9C] =	sst s1;
	(tag) =	ssettag s2;
	_ =	strace s9  }
0x27: {  	s1 =	sld [smem:$0x3FAC]  }
0x28: {  	s2 =	sld [smem:$0x3FAD]  }
0x29: {  	s4 =	sld [smem:$0x3FAF]  }
0x2a: {  	p0 =	seq.s32 s5, $0x0;
	s5 =	sld [smem:$0x3FB0]  }
0x2b: {  	s6 =	sld [smem:$0x3FB1]  }
0x2c: {  	s7 =	sld [smem:$0x3FB2]  }
0x2d: {  	s3 =	simm.s32 $0x108;
	s8 =	sld [smem:$0x3FB3]  }
0x2e: {  	s3 =	simm.s32 @!p0 $0x1082;
	s9 =	sld [smem:$0x3FB4]  }
0x2f: {  	lr =	sadd.s32 s0, s3;
	s0 =	sld [smem:$0x3FAB]  }
0x30: {  	s3 =	sld [smem:$0x3FAE]  }
0x31: {  	[smem:$0x3FB7] =	sst s10  }
0x32: {  	s10 =	sld [smem:$0x3FB5];
	_ =	sdelay $0x3  }
0x33: {  	p0 =	seq.s32 s10, $0x1;
	s10 =	sld [smem:$0x3FB7];
	_ =	sdelay $0x3  }
0x34: {  	[smem:$0x3FB7] =	sst s10  }
0x35: {  	s10 =	sld [smem:$0x3FB6];
	_ =	sdelay $0x3  }
0x36: {  	p1 =	seq.s32 s10, $0x1;
	s10 =	sld [smem:$0x3FB7];
	_ =	sdelay $0x3  }
0x37: {  	[smem:$0x3FB7] =	sst s10  }
0x38: {  	s10 =	sld [smem:$0x3FB8]  }
0x39: {  	_ = 	snop;
	(pc) =	sbr.ind lr, $3  }
0x3a: {  	_ = 	snop  }
0x3b: {  	_ = 	snop  }
0x3c: {  	p2 =	seq.s32 s10, $0x1;
	s10 =	sld [smem:$0x3FB7]  }
0x3d: {  	_ =	shalt  }
0x3e: {  	_ =	shalt  }
0x3f: {  	_ =	shalt  }
0x40: {  	_ =	shalt  }
0x41: {  	_ =	shalt  }
0x42: {  	_ =	shalt  }
0x43: {  	_ =	shalt  }
0x44: {  	_ =	shalt  }
0x45: {  	_ =	shalt  }
0x46: {  	_ =	shalt  }
0x47: {  	_ =	shalt  }
0x48: {  	_ =	shalt  }
0x49: {  	_ =	shalt  }
0x4a: {  	_ =	shalt  }
0x4b: {  	_ =	shalt  }
0x4c: {  	_ =	shalt  }
0x4d: {  	_ =	shalt  }
0x4e: {  	_ =	shalt  }
0x4f: {  	_ =	shalt  }
0x50: {  	_ =	shalt  }
0x51: {  	_ =	shalt  }
0x52: {  	_ =	shalt  }
0x53: {  	_ =	shalt  }
0x54: {  	_ =	shalt  }
0x55: {  	_ =	shalt  }
0x56: {  	_ =	shalt  }
0x57: {  	_ =	shalt  }
0x58: {  	_ =	shalt  }
0x59: {  	_ =	shalt  }
0x5a: {  	_ =	shalt  }
0x5b: {  	_ =	shalt  }
0x5c: {  	_ =	shalt  }
0x5d: {  	_ =	shalt  }
0x5e: {  	_ =	shalt  }
0x5f: {  	_ =	shalt  }
0x60: {  	_ =	shalt  }
0x61: {  	_ =	shalt  }
0x62: {  	_ =	shalt  }
0x63: {  	_ =	shalt  }
0x64: {  	_ =	shalt  }
0x65: {  	_ =	shalt  }
0x66: {  	_ =	shalt  }
0x67: {  	_ =	shalt  }
0x68: {  	_ =	shalt  }
0x69: {  	_ =	shalt  }
0x6a: {  	_ =	shalt  }
0x6b: {  	_ =	shalt  }
0x6c: {  	_ =	shalt  }
0x6d: {  	_ =	shalt  }
0x6e: {  	_ =	shalt  }
0x6f: {  	_ =	shalt  }
0x70: {  	_ =	shalt  }
0x71: {  	_ =	shalt  }
0x72: {  	_ =	shalt  }
0x73: {  	_ =	shalt  }
0x74: {  	_ =	shalt  }
0x75: {  	_ =	shalt  }
0x76: {  	_ =	shalt  }
0x77: {  	_ =	shalt  }
0x78: {  	_ =	shalt  }
0x79: {  	_ =	shalt  }
0x7a: {  	_ =	shalt  }
0x7b: {  	_ =	shalt  }
0x7c: {  	_ =	shalt  }
0x7d: {  	_ =	shalt  }
0x7e: {  	_ =	shalt  }
0x7f: {  	_ =	shalt  }
0x80: {  	_ =	shalt  }
0x81: {  	_ =	shalt  }
0x82: {  	_ =	shalt  }
0x83: {  	_ =	shalt  }
0x84: {  	_ =	shalt  }
0x85: {  	_ =	shalt  }
0x86: {  	_ =	shalt  }
0x87: {  	_ =	shalt  }
.Lfunc_end0:
.L_simem_size_0:
called_computation_lowered:
.L_overlay_start_0:
0x88: {  	s2 =	sld [smem:$0x3FD9]  }
0x89: {  	s3 =	sld [smem:$0x3FFE];
	_ =	sdelay $0x1  }
0x8a: {  	s1 =	srdreg.scid  }
0x8b: {  	s0 =	sand.u32 $0x1, s1  }
0x8c: {  	s15 =	sshll.u32 s0, $0xA;
	s2 =	sadd.s32 s3, s2  }
0x8d: {  	s2 =	sadd.s32 s2, s15  }
0x8e: {  	[smem:$0x3FC3] =	sst s2  }
0x8f: {  	_ = 	snop  }
0x90: {  	s2 =	sld [smem:$0x3FD0];
	_ =	sdelay $0x1  }
0x91: {  	s16 =	sld [smem:$0x3FC8]  }
0x92: {  	s5 =	simm.s32 $0xA;
	s6 =	simm.s32 $0x10;
	s4 =	sld [smem:$0x3FC7]  }
0x93: {  	[smem:s6], [sflag:s5] =	dma.local [hbm:s2], $0x1  }
0x94: {  	_ =	swait.eq [sflag:s5], $0x1  }
0x95: {  	[sflag:s5] =	ssyncset.done $0x0  }
0x96: {  	s17 =	sld [smem:$0x10];
	[sflag:s5] =	ssyncadd.s32 $0xFFFFFFFF  }
0x97: {  	s18 =	sld [smem:$0x11];
	(tm) =	ssettm $0x1  }
0x98: {  	s19 =	sld [smem:$0x3FFB];
	_ =	sdelay $0x3  }
0x99: {  	_ =	strace s19  }
0x9a: {  	s6 =	sld [smem:$0x3FFC];
	_ =	sdelay $0x3  }
0x9b: {  	_ =	strace s6  }
0x9c: {  	s6 =	sld [smem:$0x3FFD];
	_ =	sdelay $0x3  }
0x9d: {  	_ =	strace s6  }
0x9e: {  	_ =	strace $0x8FFFFFFF  }
0x9f: {  	s20 =	sld [smem:$0x3FDB];
	_ =	sdelay $0x1  }
0xa0: {  	s7 =	simm.s32 $_scs_section_size  }
0xa1: {  	s8 =	simm.s32 $_size__tile_overlayer_lowered;
	s9 =	simm.s32 $_tile_overlayer_lowered  }
0xa2: {  	s23 =	simm.s32 $0x1BFF;
	s22 =	sshll.u32 s9, $0x1;
	s6 =	sadd.s32 s7, s20  }
0xa3: {  	s10 =	simm.s32 $0x0;
	s21 =	sshll.u32 s8, $0x1;
	s8 =	sadd.s32 s22, s6  }
0xa4: {  	[timem:s10], [sflag:s23] =	dma.local [hbm:s8], s21  }
0xa5: {  	_ =	swait.ge [sflag:s23], s21  }
0xa6: {  	s7 =	ssub.s32 $0x0, s21;
	[sflag:s23] =	ssyncset.done $0x0  }
0xa7: {  	[sflag:s23] =	ssyncadd.s32 s7;
	_ =	sdelay $0x1  }
0xa8: {  	s24 =	simm.s32 $0x1B8B  }
0xa9: {  	_ =	swait.ge [sflag:s24], $0x1  }
0xaa: {  	[sflag:s24] =	ssyncset.done $0x0  }
0xab: {  	s25 =	simm.s32 $0x1B8E;
	[sflag:s24] =	ssyncadd.s32 $0xFFFFFFFF  }
0xac: {  	s26 =	simm.s32 $execute0_lowered;
	[smem:$0x3FD2] =	sst s25  }
0xad: {  	s7 =	sshll.u32 s26, $0x1;
	_ =	strace $0x80000046;
	[dreg:$0x1] =	wrdreg $0xFFFFFFFF  }
0xae: {  	s28 =	simm.s32 $_size_execute0_lowered;
	s6 =	sadd.s32 s6, s7;
	[dreg:$0x0] =	wrdreg $0x0  }
0xaf: {  	s7 =	sshll.u32 s28, $0x1;
	[dreg:$0x2] =	wrdreg s6  }
0xb0: {  	[dreg:$0x3] =	wrdreg s7  }
0xb1: {  	[dreg:$0x4] =	wrdreg $0xC0  }
0xb2: {  	_ =	task [dreg:s10], $0x5FFFF  }
0xb3: {  	[dreg:$0x1] =	wrdreg $0xFFFFFFFF  }
0xb4: {  	[dreg:$0x0] =	wrdreg $0x60  }
0xb5: {  	[dreg:$0x2] =	wrdreg s16  }
0xb6: {  	[dreg:$0x3] =	wrdreg s4  }
0xb7: {  	[dreg:$0x4] =	wrdreg s18  }
0xb8: {  	[dreg:$0x5] =	wrdreg s17  }
0xb9: {  	[dreg:$0x6] =	wrdreg $0x52800  }
0xba: {  	[dreg:$0x7] =	wrdreg $0x9  }
0xbb: {  	_ =	task.clear_ibuf [dreg:s10], $0x8FFFF;
	_ =	strace $0x90000046  }
0xbc: {  	s29 =	simm.s32 $0x9;
	_ =	strace $0x80000048  }
0xbd: {  	_ =	swait.ge [sflag:s29], $0x1  }
0xbe: {  	[sflag:s29] =	ssyncadd.s32 $0xFFFFFFFF  }
0xbf: {  	_ =	strace $0x90000048  }
0xc0: {  	_ =	sfence  }
0xc1: {  	s30 =	sld [smem:$0x0];
	_ =	sdelay $0x2  }
0xc2: {  	s31 =	sshll.u32 s1, $0xD;
	s1 =	sshrl.u32 s1, $0x2  }
0xc3: {  	s3 =	sand.u32 $0x4000, s31;
	s1 =	sadd.s32 s1, s30  }
0xc4: {  	s0 =	sor.u32 s3, s0;
	s1 =	sshll.u32 s1, $0x11  }
0xc5: {  	s0 =	sor.u32 s1, s0  }
0xc6: {  	s0 =	sadd.s32 $0x8F2B, s0  }
0xc7: {  	[sflag:s0] =	ssyncadd.remote.s32 $0x1  }
0xc8: {  	_ =	sfence.sel $0xFFFF  }
0xc9: {  	[dreg:$0x0] =	wrdreg $0xFFFFFFFF;
	(pc) =	sbr.abs _section_cstart, $3  }
0xca: {  	[dreg:$0x1] =	wrdreg $0xFFFFFFFF  }
0xcb: {  	_ =	task.clear_ibuf [dreg:s10], $0x2FFFF;
	_ =	strace $0x9FFFFFFF  }
0xcc: {  	(tm) =	ssettm $0x7FFFFFFF  }
0xcd: {  	_ =	shalt  }
tec
execute0_lowered:
.L_overlay_start_1:
0x0: {  	(tag) =	ssettag $0x1  }
0x1: {  	s10 =	rddreg [dreg:$0x0]  }
0x2: {  	s6 =	rddreg [dreg:$0x1]  }
0x3: {  	s0 =	rddreg [dreg:$0x2]  }
0x4: {  	s3 =	rddreg [dreg:$0x3]  }
0x5: {  	s1 =	srdreg.scid;
	s4 =	rddreg [dreg:$0x4]  }
0x6: {  	s2 =	stileid.u32;
	s5 =	simm.s32 $0x0;
	s15 =	simm.s32 $0x1  }
0x7: {  	s17 =	simm.s32 $0x10;
	s18 =	simm.s32 $0x4F80;
	s19 =	simm.s32 $0x2  }
0x8: {  	s9 =	sand.u32 $0x1, s1;
	s1 =	rddreg [dreg:$0x5];
	s12 =	smul.u32 $0xA00, s2  }
0x9: {  	s23 =	simm.s32 $0x0;
	[smem:$0x7FF] =	sst s5;
	s14 =	smul.u32 $0x2710, s2  }
0xa: {  	p0 =	seq.s32 s2, $0x0;
	s7 =	sshll.u32 s9, $0x4;
	s8 =	ssub.s32 $0x2, s9  }
0xb: {  	_ =	strace $0x80000047;
	s13 =	smul.u32 $0x27100, s9;
	p1 =	seq.s32 s9, $0x1  }
0xc: {  	s16 =	sor.u32 s9, s2;
	s7 =	sor.u32 s2, s7;
	s11 =	sshrl.u32 s8, $0x1  }
0xd: {  	s12 =	sshrl.u32 s12, $0x2;
	p0 =	por !p0, !p1;
	p1 =	sne.s32 s16, $0x0  }
0xe: {  	s16 =	simm.s32 $0x80;
	s7 =	smul.u32 $0x2710, s7;
	s11 =	ssub.s32 s8, s11  }
0xf: {  	s8 =	sadd.s32 s12, s4;
	s31 =	sadd.s32 s14, s13;
	p0 =	por !p0, !p0  }
0x10: {  	s13 =	simm.s32 $0x5000;
	s14 =	simm.s32 $0x3;
	s20 =	sshll.u32 @!p1 s2, $0x6  }
0x11: {  	s21 =	sshrl.u32 @!p1 s4, $0x3;
	s12 =	sshrl.u32 s31, $0x3;
	s9 =	smax.u32 s11, $0x1  }
0x12: {  	s11 =	simm.s32 $0x2880;
	s20 =	sor.u32 @!p1 $0x1C03, s20;
	s7 =	sshrl.u32 s7, $0x3  }
0x13: {  	s22 =	sshrl.u32 @p0 s4, $0x3;
	s30 =	sadd.s32 s10, s7;
	s6 =	sadd.s32 s6, s7  }
0x14: {  	v0 =	vimm.f32 $0.0e+00;
	s10 =	sadd.s32 s12, s10;
	s12 =	simm.s32 $0x2800;
	s7 =	sadd.s32 $0x4E0, s30  }
.LBB2_1:
0x15: {  	[tilespmem:s11], [sflag:$0x1] =	stream.linear.gather [hbm4b:s6+s5], $0x2710, $0x38;
	[tilespmem:$0x5500] =	vst v63  }
0x16: {  	s24 =	simm.s32 $0x10  }
0x17: {  	s28 =	sadd.s32 $0x0, s10;
	s25 =	simm.s32 $0x80;
	s26 =	simm.s32 $0x0  }
0x18: {  	[tilespmem:s12], [sflag:$0x1] =	stream.linear.gather [hbm4b:s7+s5], $0x10, $0x38;
	[tilespmem:$0x5500] =	vst v63  }
.LBB2_2:
0x19: {  	[tilespmem:s26], [sflag:$0x1] =	stream.linear.gather [hbm4b:s28+s5], $0x80, $0x38;
	[tilespmem:$0x5500] =	vst v63  }
0x1a: {  	s28 =	smov.u32 s24;
	s26 =	smov.u32 s25;
	p2 =	sne.s32 s24, $0x4D0  }
.Ltmp0:
0x1b: {  	s24 =	sadd.s32 $0x10, s24;
	(pc) =	sbr.rel @p2 .LBB2_2-.Ltmp0, $2  }
0x1c: {  	_ =	sdelay $0x2  }
0x1d: {  	s25 =	sadd.s32 $0x80, s25;
	s28 =	sadd.s32 s28, s10  }
0x1e: {  	[tilespmem:s26], [sflag:$0x1] =	stream.linear.gather [hbm4b:s28+s5], $0x80, $0x38;
	[tilespmem:$0x5500] =	vst v63  }
0x1f: {  	[tilespmem:$0x5000] =	vst v0  }
0x20: {  	[tilespmem:$0x5010] =	vst v0  }
0x21: {  	[tilespmem:$0x5020] =	vst v0  }
0x22: {  	[tilespmem:$0x5030] =	vst v0  }
0x23: {  	[tilespmem:$0x5040] =	vst v0  }
0x24: {  	[tilespmem:$0x5050] =	vst v0  }
0x25: {  	[tilespmem:$0x5060] =	vst v0  }
0x26: {  	[tilespmem:$0x5070] =	vst v0  }
0x27: {  	[tilespmem:$0x5080] =	vst v0  }
0x28: {  	[tilespmem:$0x5090] =	vst v0  }
0x29: {  	[tilespmem:$0x50A0] =	vst v0  }
0x2a: {  	[tilespmem:$0x50B0] =	vst v0  }
0x2b: {  	[tilespmem:$0x50C0] =	vst v0  }
0x2c: {  	[tilespmem:$0x50D0] =	vst v0  }
0x2d: {  	[tilespmem:$0x50E0] =	vst v0  }
0x2e: {  	[tilespmem:$0x50F0] =	vst v0  }
0x2f: {  	[tilespmem:$0x5100] =	vst v0  }
0x30: {  	[tilespmem:$0x5110] =	vst v0  }
0x31: {  	[tilespmem:$0x5120] =	vst v0  }
0x32: {  	[tilespmem:$0x5130] =	vst v0  }
0x33: {  	[tilespmem:$0x5140] =	vst v0  }
0x34: {  	[tilespmem:$0x5150] =	vst v0  }
0x35: {  	[tilespmem:$0x5160] =	vst v0  }
0x36: {  	[tilespmem:$0x5170] =	vst v0  }
0x37: {  	[tilespmem:$0x5180] =	vst v0  }
0x38: {  	[tilespmem:$0x5190] =	vst v0  }
0x39: {  	[tilespmem:$0x51A0] =	vst v0  }
0x3a: {  	[tilespmem:$0x51B0] =	vst v0  }
0x3b: {  	[tilespmem:$0x51C0] =	vst v0  }
0x3c: {  	[tilespmem:$0x51D0] =	vst v0  }
0x3d: {  	[tilespmem:$0x51E0] =	vst v0  }
0x3e: {  	[tilespmem:$0x51F0] =	vst v0  }
0x3f: {  	[tilespmem:$0x5200] =	vst v0  }
0x40: {  	[tilespmem:$0x5210] =	vst v0  }
0x41: {  	[tilespmem:$0x5220] =	vst v0  }
0x42: {  	[tilespmem:$0x5230] =	vst v0  }
0x43: {  	[tilespmem:$0x5240] =	vst v0  }
0x44: {  	[tilespmem:$0x5250] =	vst v0  }
0x45: {  	[tilespmem:$0x5260] =	vst v0  }
0x46: {  	[tilespmem:$0x5270] =	vst v0  }
0x47: {  	[spmem:s8] =	stream.linear.scatter [tilespmem:s13], [sflag:$0x3], $0x280, $0x38;
	[tilespmem:$0x5500] =	vst v63  }
0x48: {  	_ =	swait.ge [sflag:s14], $0x280  }
0x49: {  	[sflag:s14] =	ssyncset.done $0x0  }
0x4a: {  	[sflag:s14] =	ssyncadd.s32 $0xFFFFFD80  }
0x4b: {  	_ =	swait.ge [sflag:s15], $0x2710  }
0x4c: {  	[sflag:s15] =	ssyncset.done $0x0  }
0x4d: {  	[sflag:s15] =	ssyncadd.s32 $0xFFFFD8F0  }
0x4e: {  	_ =	swait.ge [sflag:s15], $0x2710  }
0x4f: {  	[sflag:s15] =	ssyncset.done $0x0  }
0x50: {  	s24 =	simm.s32 $0x200;
	[sflag:s15] =	ssyncadd.s32 $0xFFFFD8F0  }
0x51: {  	s25 =	simm.s32 $0x0;
	s26 =	simm.s32 $0x2880;
	[bflag:$0x0] =	sbarrier.arrive $0xFFFF  }
.LBB2_4:
0x52: {  	[spmem:s4] =	stream.indirect.scatter.add.f32 [tilespmem:s26], [sflag:$0x2], $0x1, s25, s16, $0xb8;
	[tilespmem:$0x5500] =	vst v63  }
0x53: {  	s25 =	smov.u32 s24;
	p2 =	sne.s32 s24, $0x9A00  }
.Ltmp1:
0x54: {  	s24 =	sadd.s32 $0x200, s24;
	(pc) =	sbr.rel @p2 .LBB2_4-.Ltmp1, $3  }
0x55: {  	_ =	sdelay $0x1  }
0x56: {  	s25 =	sshra.s32 s25, $0x2  }
0x57: {  	s26 =	sadd.s32 $0x2880, s25  }
0x58: {  	[spmem:s4] =	stream.indirect.scatter.add.f32 [tilespmem:s26], [sflag:$0x2], $0x1, s25, s16, $0xb8;
	[tilespmem:$0x5500] =	vst v63  }
0x59: {  	_ = 	snop  }
0x5a: {  	[spmem:s4] =	stream.indirect.scatter.add.f32 [tilespmem:s18], [sflag:$0x2], $0x1, s12, s17, $0xb8;
	[tilespmem:$0x5500] =	vst v63  }
0x5b: {  	_ =	swait.ge [sflag:s19], $0x2710  }
0x5c: {  	[sflag:s19] =	ssyncset.done $0x0  }
0x5d: {  	[sflag:s19] =	ssyncadd.s32 $0xFFFFD8F0  }
0x5e: {  	s24 =	simm.s32 @!p1 $0x3;
	[bflag:$0x0] =	sbarrier.arrive $0xFFFF  }
0x5f: {  	[hbm:s0], [sflag:s20] =	dma.local @!p1 [spmem:s21], $0x500  }
0x60: {  	_ =	swait.ge @!p1 [sflag:s24], $0x500  }
0x61: {  	s23 =	sadd.s32 $0x1, s23;
	[sflag:s24] =	ssyncset.done @!p1 $0x0  }
0x62: {  	p2 =	sne.s32 s23, s9;
	[sflag:s24] =	ssyncadd.s32 @!p1 $0xFFFFFB00;
	s24 =	simm.s32 @p0 $0x1C03  }
0x63: {  	[hbm:s3], [sflag:s24] =	dma.local @p0 [spmem:s22], $0x500  }
.Ltmp2:
0x64: {  	_ = 	snop;
	(pc) =	sbr.rel @p2 .LBB2_1-.Ltmp2, $4  }
0x65: {  	s24 =	simm.s32 @p0 $0x3  }
0x66: {  	_ =	swait.ge @p0 [sflag:s24], $0x500  }
0x67: {  	[sflag:s24] =	ssyncset.done @p0 $0x0  }
0x68: {  	[sflag:s24] =	ssyncadd.s32 @p0 $0xFFFFFB00  }
0x69: {  	_ =	sfence.sel $0x180000  }
0x6a: {  	[bflag:$0x0] =	sbarrier.arrive $0xFFFF  }
0x6b: {  	p0 =	sne.s32 s2, $0x0;
	_ =	strace $0x90000047  }
0x6c: {  	s0 =	sadd.s32 @!p0 $0x100000, s1;
	[bflag:$0x2] =	sbarrier.arrive $0xFFFF  }
0x6d: {  	[sflag:s0] =	ssyncadd.tile.s32 @!p0 $0x1;
	_ =	shalt  }
.Lfunc_end2:
_tile_overlayer_lowered:
.L_overlay_start_2:
0x6e: {  	(tag) =	ssettag $0x2  }
0x6f: {  	s0 =	rddreg [dreg:$0x0];
	s2 =	stileid.u32  }
0x70: {  	s1 =	rddreg [dreg:$0x1];
	p0 =	sne.s32 s2, $0x0  }
0x71: {  	s3 =	rddreg [dreg:$0x2];
	[bflag:$0x3] =	sbarrier.arrive $0xFFFF;
	s2 =	simm.s32 @!p0 $0x1C03  }
0x72: {  	[timem:s3], [sflag:s2] =	dma.local @!p0 [hbm:s0], s1  }
0x73: {  	s0 =	simm.s32 @!p0 $0x3  }
0x74: {  	_ =	swait.ge @!p0 [sflag:s0], s1  }
0x75: {  	s1 =	ssub.s32 @!p0 $0x0, s1;
	[sflag:s0] =	ssyncset.done @!p0 $0x0  }
0x76: {  	[sflag:s0] =	ssyncadd.s32 @!p0 s1  }
0x77: {  	[bflag:$0x3] =	sbarrier.arrive $0xFFFF  }
0x78: {  	_ =	shalt  }

</sc_bundles>
